<compile_context>
chip_gen: v7x
topology: tpu7x:2x2x1
jax: 0.10.2.dev20260603
libtpu: 0.0.44.dev20260713+nightly
codegen_flags: <defaults>
</compile_context>

<pallas_src>
import functools

import jax
import jax.numpy as jnp
from jax import lax
from jax.experimental import pallas as pl
from jax.experimental.pallas import tpu as pltpu
from jax.experimental.pallas import tpu_sc as plsc

BIN = 100
PAD = 128
HID = 128
TB = 4096



def _idx_body(x_ref, w1_ref, b1_ref, w2t_ref, b2_ref, pw_ref, idx_ref):
    xr = x_ref[0]
    h1 = jnp.maximum(w1_ref[...] * xr + b1_ref[...], 0.0)
    h2 = jax.lax.dot_general(
        w2t_ref[...], h1, (((1,), (0,)), ((), ())),
        precision=jax.lax.Precision.DEFAULT,
        preferred_element_type=jnp.float32,
    ) + b2_ref[...]
    h2 = jnp.maximum(h2, 0.0)
    m = jnp.max(h2, axis=0, keepdims=True)
    sel = (h2 >= m).astype(jnp.float32)
    rowval = jax.lax.dot_general(
        pw_ref[...], sel, (((1,), (0,)), ((), ())),
        precision=jax.lax.Precision.DEFAULT,
        preferred_element_type=jnp.float32,
    )
    bits = jax.lax.bitcast_convert_type(rowval, jnp.int32)
    idx = jnp.maximum(127 - (bits >> 23), 0)
    idx_ref[0] = idx


def _compute_idx(x2, W1, b1, W2, b2):
    G = x2.shape[0]
    w1c = jnp.zeros((PAD, 1), jnp.float32).at[:BIN, 0].set(W1[0])
    b1c = jnp.zeros((PAD, 1), jnp.float32).at[:BIN, 0].set(b1)
    w2t = jnp.zeros((PAD, PAD), jnp.float32).at[:BIN, :BIN].set(W2.T)
    b2c = jnp.zeros((PAD, 1), jnp.float32).at[:BIN, 0].set(b2)
    binr = jnp.arange(PAD, dtype=jnp.float32)
    pw = jnp.where(binr < BIN, jnp.exp2(-binr), 0.0).reshape(1, PAD)
    idx = pl.pallas_call(
        _idx_body,
        grid=(G,),
        in_specs=[
            pl.BlockSpec((1, 1, TB), lambda i: (i, 0, 0)),
            pl.BlockSpec((PAD, 1), lambda i: (0, 0)),
            pl.BlockSpec((PAD, 1), lambda i: (0, 0)),
            pl.BlockSpec((PAD, PAD), lambda i: (0, 0)),
            pl.BlockSpec((PAD, 1), lambda i: (0, 0)),
            pl.BlockSpec((1, PAD), lambda i: (0, 0)),
        ],
        out_specs=pl.BlockSpec((1, 1, TB), lambda i: (i, 0, 0)),
        out_shape=jax.ShapeDtypeStruct((G, 1, TB), jnp.int32),
    )(x2.reshape(G, 1, TB), w1c, b1c, w2t, b2c, pw)
    return idx.reshape(G * TB)



_INFO = plsc.get_sparse_core_info()
_NC, _NS = _INFO.num_cores, _INFO.num_subcores
_NW = _NC * _NS
_CHUNK = 128


_NSLOT = 4


def _make_sc_gather(N):
    b_per_w = N // _NW
    n_rounds = b_per_w // (_NSLOT * _CHUNK)
    mesh = plsc.VectorSubcoreMesh(core_axis_name="c", subcore_axis_name="s")

    @functools.partial(
        pl.kernel, mesh=mesh,
        out_type=jax.ShapeDtypeStruct((N, HID), jnp.float32),
        scratch_types=(
            [pltpu.VMEM_SHARED((BIN, HID), jnp.float32)]
            + [pltpu.VMEM((_CHUNK,), jnp.int32)] * _NSLOT
            + [pltpu.VMEM((_CHUNK, HID), jnp.float32)] * _NSLOT
            + [pltpu.SemaphoreType.DMA] * (2 * _NSLOT)
        ),
        compiler_params=pltpu.CompilerParams(needs_layout_passes=False),
    )
    def sc_gather(emb_hbm, idx_hbm, out_hbm, emb_sh, *bufs):
        idx_v = bufs[:_NSLOT]
        rows_v = bufs[_NSLOT:2 * _NSLOT]
        gsem = bufs[2 * _NSLOT:3 * _NSLOT]
        ssem = bufs[3 * _NSLOT:4 * _NSLOT]
        sid = lax.axis_index("s")
        wid = sid * _NC + lax.axis_index("c")
        base = wid * b_per_w

        @pl.when(sid == 0)
        def _():
            pltpu.sync_copy(emb_hbm, emb_sh)

        plsc.subcore_barrier()

        def issue(s, off):
            pltpu.sync_copy(idx_hbm.at[pl.ds(off, _CHUNK)], idx_v[s])
            pltpu.async_copy(emb_sh.at[idx_v[s]], rows_v[s], gsem[s])

        def flush(s, off):
            pltpu.make_async_copy(emb_sh.at[idx_v[s]], rows_v[s],
                                  gsem[s]).wait()
            pltpu.async_copy(rows_v[s], out_hbm.at[pl.ds(off, _CHUNK)],
                             ssem[s])

        def sdrain(s):
            pltpu.make_async_copy(
                rows_v[s], out_hbm.at[pl.ds(0, _CHUNK)], ssem[s]).wait()

        for s in range(_NSLOT):
            issue(s, base + s * _CHUNK)

        def round_(p, carry):
            prev = base + (p - 1) * (_NSLOT * _CHUNK)
            cur = base + p * (_NSLOT * _CHUNK)
            for s in range(_NSLOT):
                flush(s, prev + s * _CHUNK)
            for s in range(_NSLOT):
                sdrain(s)
                issue(s, cur + s * _CHUNK)
            return carry

        lax.fori_loop(1, n_rounds, round_, 0)
        last = base + (n_rounds - 1) * (_NSLOT * _CHUNK)
        for s in range(_NSLOT):
            flush(s, last + s * _CHUNK)
        for s in range(_NSLOT):
            sdrain(s)

    return sc_gather



def kernel(x, W1, b1, W2, b2, emb):
    B, L, _ = x.shape
    N = B * L
    x2 = x.reshape(N // TB, TB)
    idx = _compute_idx(x2, W1, b1, W2, b2)
    out = _make_sc_gather(N)(emb, idx)
    return out.reshape(B, L, HID)

# --- scband reference (transcript-rebuilt; emitter-appended) ---
"""Pipeline reference for scband-auto-discretization-embedding2-85890755986003 (READ-ONLY COPY).

The authoritative reference and input builder live on the scoring server;
editing this copy changes nothing except your own understanding.
"""

import jax, jax.numpy as jnp
import numpy as np

B = 4096
L = 200
BIN_NUM = 100
HIDDEN_DIM = 128


def setup_inputs(seed: int = 0) -> dict:
    key = jax.random.key(seed)
    ks = jax.random.split(key, 8)
    x = jax.random.normal(ks[0], (B, L, 1), dtype=jnp.float32)
    # Linear(1, bin_num): torch weight [bin_num, 1] -> jax W1 [1, bin_num]
    W1 = jax.random.normal(ks[1], (1, BIN_NUM), dtype=jnp.float32) * (1.0 / np.sqrt(1.0))
    b1 = jax.random.normal(ks[2], (BIN_NUM,), dtype=jnp.float32) * 0.01
    # Linear(bin_num, bin_num)
    W2 = jax.random.normal(ks[3], (BIN_NUM, BIN_NUM), dtype=jnp.float32) * (1.0 / np.sqrt(BIN_NUM))
    b2 = jax.random.normal(ks[4], (BIN_NUM,), dtype=jnp.float32) * 0.01
    # Embedding(bin_num, hidden_dim)
    emb = jax.random.normal(ks[5], (BIN_NUM, HIDDEN_DIM), dtype=jnp.float32)
    return {"x": x, "W1": W1, "b1": b1, "W2": W2, "b2": b2, "emb": emb}


def reference(x, W1, b1, W2, b2, emb):
    h = jax.nn.relu(jnp.matmul(x, W1) + b1)
    h = jax.nn.relu(jnp.matmul(h, W2) + b2)
    idx = jnp.argmax(h, axis=-1)
    out = jnp.take(emb, idx, axis=0)
    return out

if __name__ == "__main__":
    import jax
    _d = setup_inputs()
    print(jax.jit(kernel)(*tuple(_d.values())))

</pallas_src>

<mosaic_0001>
#map = affine_map<(d0, d1) -> (0, 0)>
#map1 = affine_map<(d0, d1) -> (0)>
module attributes {stable_mosaic.version = 14 : i64} {
  func.func @sc_gather(%arg0: i32, %arg1: i32, %arg2: memref<100x128xf32, #tpu.memory_space<hbm>>, %arg3: memref<819200xi32, #tpu.memory_space<hbm>>, %arg4: memref<819200x128xf32, #tpu.memory_space<hbm>>, %arg5: memref<100x128xf32, #tpu.memory_space<vmem_shared>>, %arg6: memref<128xi32, #tpu.memory_space<vmem>>, %arg7: memref<128xi32, #tpu.memory_space<vmem>>, %arg8: memref<128xi32, #tpu.memory_space<vmem>>, %arg9: memref<128xi32, #tpu.memory_space<vmem>>, %arg10: memref<128x128xf32, #tpu.memory_space<vmem>>, %arg11: memref<128x128xf32, #tpu.memory_space<vmem>>, %arg12: memref<128x128xf32, #tpu.memory_space<vmem>>, %arg13: memref<128x128xf32, #tpu.memory_space<vmem>>, %arg14: memref<!tpu.dma_semaphore, #tpu.memory_space<semaphore_mem>>, %arg15: memref<!tpu.dma_semaphore, #tpu.memory_space<semaphore_mem>>, %arg16: memref<!tpu.dma_semaphore, #tpu.memory_space<semaphore_mem>>, %arg17: memref<!tpu.dma_semaphore, #tpu.memory_space<semaphore_mem>>, %arg18: memref<!tpu.dma_semaphore, #tpu.memory_space<semaphore_mem>>, %arg19: memref<!tpu.dma_semaphore, #tpu.memory_space<semaphore_mem>>, %arg20: memref<!tpu.dma_semaphore, #tpu.memory_space<semaphore_mem>>, %arg21: memref<!tpu.dma_semaphore, #tpu.memory_space<semaphore_mem>>) attributes {dimension_semantics = [#tpu.dimension_semantics<core_parallel>, #tpu.dimension_semantics<subcore_parallel>], iteration_bounds = array<i64: 2, 16>, scalar_prefetch = 0 : i64, scratch_operands = 17 : i64, tpu.core_type = #tpu.core_type<sc_vector_subcore>, window_params = [{transform_indices = #map}, {transform_indices = #map1}, {transform_indices = #map}]} {
    %mul3A = arith.constant 2 : i32
    %mul3A_0 = arith.muli %arg1, %mul3A : i32
    %add3A = arith.addi %mul3A_0, %arg0 : i32
    %mul3A_1 = arith.constant 25600 : i32
    %mul3A_2 = arith.muli %add3A, %mul3A_1 : i32
    %eq3A = arith.constant 0 : i32
    %eq3A_3 = arith.cmpi eq, %arg1, %eq3A : i32
    %convert_element_type3A = arith.extui %eq3A_3 : i1 to i32
    %cond3A = arith.constant 0 : i32
    %cond3A_4 = arith.cmpi ne, %convert_element_type3A, %cond3A : i32
    scf.if %cond3A_4 {
      "tpu.region"() ({
        %run_scoped3A = tpu.sem_alloc : memref<!tpu.dma_semaphore, #tpu.memory_space<semaphore_mem>>
        tpu.enqueue_dma source(%arg2 : memref<100x128xf32, #tpu.memory_space<hbm>>) target(%arg5 : memref<100x128xf32, #tpu.memory_space<vmem_shared>>) target_semaphore(%run_scoped3A : memref<!tpu.dma_semaphore, #tpu.memory_space<semaphore_mem>>)
        tpu.wait_dma2 semaphore(%run_scoped3A : memref<!tpu.dma_semaphore, #tpu.memory_space<semaphore_mem>>) src(%arg2 : memref<100x128xf32, #tpu.memory_space<hbm>>) dst(%arg5 : memref<100x128xf32, #tpu.memory_space<vmem_shared>>)
        tpu.yield
      }) : () -> ()
    } else {
    }
    %barrier3A = arith.constant 0 : index
    tpu.barrier barrier_id(%barrier3A)
    %add3A_5 = arith.constant 0 : i32
    %add3A_6 = arith.addi %mul3A_2, %add3A_5 : i32
    "tpu.region"() ({
      %run_scoped3A = tpu.sem_alloc : memref<!tpu.dma_semaphore, #tpu.memory_space<semaphore_mem>>
      %dma_start3A_90 = tpu.memref_slice %arg3[%add3A_6] : memref<819200xi32, #tpu.memory_space<hbm>> -> memref<128xi32, #tpu.memory_space<hbm>>
      %dma_start3A_91 = tpu.memref_slice %arg3[%add3A_6] : memref<819200xi32, #tpu.memory_space<hbm>> -> memref<128xi32, #tpu.memory_space<hbm>>
      tpu.enqueue_dma source(%dma_start3A_91 : memref<128xi32, #tpu.memory_space<hbm>>) target(%arg6 : memref<128xi32, #tpu.memory_space<vmem>>) target_semaphore(%run_scoped3A : memref<!tpu.dma_semaphore, #tpu.memory_space<semaphore_mem>>)
      %dma_wait3A_92 = tpu.memref_slice %arg3[%add3A_6] : memref<819200xi32, #tpu.memory_space<hbm>> -> memref<128xi32, #tpu.memory_space<hbm>>
      %dma_wait3A_93 = tpu.memref_slice %arg3[%add3A_6] : memref<819200xi32, #tpu.memory_space<hbm>> -> memref<128xi32, #tpu.memory_space<hbm>>
      tpu.wait_dma2 semaphore(%run_scoped3A : memref<!tpu.dma_semaphore, #tpu.memory_space<semaphore_mem>>) src(%dma_wait3A_93 : memref<128xi32, #tpu.memory_space<hbm>>) dst(%arg6 : memref<128xi32, #tpu.memory_space<vmem>>)
      tpu.yield
    }) : () -> ()
    %dma_start3A = arith.constant 0 : i32
    %dma_start3A_7 = arith.constant 0 : i32
    %dma_start3A_8 = tpu.memref_slice %arg5[%dma_start3A, %dma_start3A_7] : memref<100x128xf32, #tpu.memory_space<vmem_shared>> -> memref<100x128xf32, #tpu.memory_space<vmem_shared>>
    tpu.enqueue_indirect_dma source(%dma_start3A_8 : memref<100x128xf32, #tpu.memory_space<vmem_shared>>) target(%arg10 : memref<128x128xf32, #tpu.memory_space<vmem>>) offsets(%arg6 : memref<128xi32, #tpu.memory_space<vmem>>) semaphore(%arg14 : memref<!tpu.dma_semaphore, #tpu.memory_space<semaphore_mem>>)
    %add3A_9 = arith.constant 128 : i32
    %add3A_10 = arith.addi %mul3A_2, %add3A_9 : i32
    "tpu.region"() ({
      %run_scoped3A = tpu.sem_alloc : memref<!tpu.dma_semaphore, #tpu.memory_space<semaphore_mem>>
      %dma_start3A_90 = tpu.memref_slice %arg3[%add3A_10] : memref<819200xi32, #tpu.memory_space<hbm>> -> memref<128xi32, #tpu.memory_space<hbm>>
      %dma_start3A_91 = tpu.memref_slice %arg3[%add3A_10] : memref<819200xi32, #tpu.memory_space<hbm>> -> memref<128xi32, #tpu.memory_space<hbm>>
      tpu.enqueue_dma source(%dma_start3A_91 : memref<128xi32, #tpu.memory_space<hbm>>) target(%arg7 : memref<128xi32, #tpu.memory_space<vmem>>) target_semaphore(%run_scoped3A : memref<!tpu.dma_semaphore, #tpu.memory_space<semaphore_mem>>)
      %dma_wait3A_92 = tpu.memref_slice %arg3[%add3A_10] : memref<819200xi32, #tpu.memory_space<hbm>> -> memref<128xi32, #tpu.memory_space<hbm>>
      %dma_wait3A_93 = tpu.memref_slice %arg3[%add3A_10] : memref<819200xi32, #tpu.memory_space<hbm>> -> memref<128xi32, #tpu.memory_space<hbm>>
      tpu.wait_dma2 semaphore(%run_scoped3A : memref<!tpu.dma_semaphore, #tpu.memory_space<semaphore_mem>>) src(%dma_wait3A_93 : memref<128xi32, #tpu.memory_space<hbm>>) dst(%arg7 : memref<128xi32, #tpu.memory_space<vmem>>)
      tpu.yield
    }) : () -> ()
    %dma_start3A_11 = arith.constant 0 : i32
    %dma_start3A_12 = arith.constant 0 : i32
    %dma_start3A_13 = tpu.memref_slice %arg5[%dma_start3A_11, %dma_start3A_12] : memref<100x128xf32, #tpu.memory_space<vmem_shared>> -> memref<100x128xf32, #tpu.memory_space<vmem_shared>>
    tpu.enqueue_indirect_dma source(%dma_start3A_13 : memref<100x128xf32, #tpu.memory_space<vmem_shared>>) target(%arg11 : memref<128x128xf32, #tpu.memory_space<vmem>>) offsets(%arg7 : memref<128xi32, #tpu.memory_space<vmem>>) semaphore(%arg15 : memref<!tpu.dma_semaphore, #tpu.memory_space<semaphore_mem>>)
    %add3A_14 = arith.constant 256 : i32
    %add3A_15 = arith.addi %mul3A_2, %add3A_14 : i32
    "tpu.region"() ({
      %run_scoped3A = tpu.sem_alloc : memref<!tpu.dma_semaphore, #tpu.memory_space<semaphore_mem>>
      %dma_start3A_90 = tpu.memref_slice %arg3[%add3A_15] : memref<819200xi32, #tpu.memory_space<hbm>> -> memref<128xi32, #tpu.memory_space<hbm>>
      %dma_start3A_91 = tpu.memref_slice %arg3[%add3A_15] : memref<819200xi32, #tpu.memory_space<hbm>> -> memref<128xi32, #tpu.memory_space<hbm>>
      tpu.enqueue_dma source(%dma_start3A_91 : memref<128xi32, #tpu.memory_space<hbm>>) target(%arg8 : memref<128xi32, #tpu.memory_space<vmem>>) target_semaphore(%run_scoped3A : memref<!tpu.dma_semaphore, #tpu.memory_space<semaphore_mem>>)
      %dma_wait3A_92 = tpu.memref_slice %arg3[%add3A_15] : memref<819200xi32, #tpu.memory_space<hbm>> -> memref<128xi32, #tpu.memory_space<hbm>>
      %dma_wait3A_93 = tpu.memref_slice %arg3[%add3A_15] : memref<819200xi32, #tpu.memory_space<hbm>> -> memref<128xi32, #tpu.memory_space<hbm>>
      tpu.wait_dma2 semaphore(%run_scoped3A : memref<!tpu.dma_semaphore, #tpu.memory_space<semaphore_mem>>) src(%dma_wait3A_93 : memref<128xi32, #tpu.memory_space<hbm>>) dst(%arg8 : memref<128xi32, #tpu.memory_space<vmem>>)
      tpu.yield
    }) : () -> ()
    %dma_start3A_16 = arith.constant 0 : i32
    %dma_start3A_17 = arith.constant 0 : i32
    %dma_start3A_18 = tpu.memref_slice %arg5[%dma_start3A_16, %dma_start3A_17] : memref<100x128xf32, #tpu.memory_space<vmem_shared>> -> memref<100x128xf32, #tpu.memory_space<vmem_shared>>
    tpu.enqueue_indirect_dma source(%dma_start3A_18 : memref<100x128xf32, #tpu.memory_space<vmem_shared>>) target(%arg12 : memref<128x128xf32, #tpu.memory_space<vmem>>) offsets(%arg8 : memref<128xi32, #tpu.memory_space<vmem>>) semaphore(%arg16 : memref<!tpu.dma_semaphore, #tpu.memory_space<semaphore_mem>>)
    %add3A_19 = arith.constant 384 : i32
    %add3A_20 = arith.addi %mul3A_2, %add3A_19 : i32
    "tpu.region"() ({
      %run_scoped3A = tpu.sem_alloc : memref<!tpu.dma_semaphore, #tpu.memory_space<semaphore_mem>>
      %dma_start3A_90 = tpu.memref_slice %arg3[%add3A_20] : memref<819200xi32, #tpu.memory_space<hbm>> -> memref<128xi32, #tpu.memory_space<hbm>>
      %dma_start3A_91 = tpu.memref_slice %arg3[%add3A_20] : memref<819200xi32, #tpu.memory_space<hbm>> -> memref<128xi32, #tpu.memory_space<hbm>>
      tpu.enqueue_dma source(%dma_start3A_91 : memref<128xi32, #tpu.memory_space<hbm>>) target(%arg9 : memref<128xi32, #tpu.memory_space<vmem>>) target_semaphore(%run_scoped3A : memref<!tpu.dma_semaphore, #tpu.memory_space<semaphore_mem>>)
      %dma_wait3A_92 = tpu.memref_slice %arg3[%add3A_20] : memref<819200xi32, #tpu.memory_space<hbm>> -> memref<128xi32, #tpu.memory_space<hbm>>
      %dma_wait3A_93 = tpu.memref_slice %arg3[%add3A_20] : memref<819200xi32, #tpu.memory_space<hbm>> -> memref<128xi32, #tpu.memory_space<hbm>>
      tpu.wait_dma2 semaphore(%run_scoped3A : memref<!tpu.dma_semaphore, #tpu.memory_space<semaphore_mem>>) src(%dma_wait3A_93 : memref<128xi32, #tpu.memory_space<hbm>>) dst(%arg9 : memref<128xi32, #tpu.memory_space<vmem>>)
      tpu.yield
    }) : () -> ()
    %dma_start3A_21 = arith.constant 0 : i32
    %dma_start3A_22 = arith.constant 0 : i32
    %dma_start3A_23 = tpu.memref_slice %arg5[%dma_start3A_21, %dma_start3A_22] : memref<100x128xf32, #tpu.memory_space<vmem_shared>> -> memref<100x128xf32, #tpu.memory_space<vmem_shared>>
    tpu.enqueue_indirect_dma source(%dma_start3A_23 : memref<100x128xf32, #tpu.memory_space<vmem_shared>>) target(%arg13 : memref<128x128xf32, #tpu.memory_space<vmem>>) offsets(%arg9 : memref<128xi32, #tpu.memory_space<vmem>>) semaphore(%arg17 : memref<!tpu.dma_semaphore, #tpu.memory_space<semaphore_mem>>)
    %scan3A = arith.constant 0 : i32
    %scan3A_24 = arith.constant 1 : i32
    %scan3A_25 = arith.constant 49 : i32
    %scan3A_26 = arith.addi %scan3A_24, %scan3A_25 : i32
    %scan3A_27 = arith.constant 1 : i32
    scf.for %scan3A_90 = %scan3A_24 to %scan3A_26 step %scan3A_27  : i32 {
      %sub3A = arith.constant 1 : i32
      %sub3A_91 = arith.subi %scan3A_90, %sub3A : i32
      %mul3A_92 = arith.constant 512 : i32
      %mul3A_93 = arith.muli %sub3A_91, %mul3A_92 : i32
      %add3A_94 = arith.addi %mul3A_2, %mul3A_93 : i32
      %mul3A_95 = arith.constant 512 : i32
      %mul3A_96 = arith.muli %scan3A_90, %mul3A_95 : i32
      %add3A_97 = arith.addi %mul3A_2, %mul3A_96 : i32
      %add3A_98 = arith.constant 0 : i32
      %add3A_99 = arith.addi %add3A_94, %add3A_98 : i32
      %dma_wait3A_100 = arith.constant 0 : i32
      %dma_wait3A_101 = arith.constant 0 : i32
      %dma_wait3A_102 = tpu.memref_slice %arg5[%dma_wait3A_100, %dma_wait3A_101] : memref<100x128xf32, #tpu.memory_space<vmem_shared>> -> memref<100x128xf32, #tpu.memory_space<vmem_shared>>
      tpu.wait_indirect_dma semaphore(%arg14 : memref<!tpu.dma_semaphore, #tpu.memory_space<semaphore_mem>>) src(%dma_wait3A_102 : memref<100x128xf32, #tpu.memory_space<vmem_shared>>) dst(%arg10 : memref<128x128xf32, #tpu.memory_space<vmem>>)
      %dma_start3A_103 = arith.constant 0 : i32
      %dma_start3A_104 = tpu.memref_slice %arg4[%add3A_99, %dma_start3A_103] : memref<819200x128xf32, #tpu.memory_space<hbm>> -> memref<128x128xf32, #tpu.memory_space<hbm>>
      %dma_start3A_105 = arith.constant 0 : i32
      %dma_start3A_106 = tpu.memref_slice %arg4[%add3A_99, %dma_start3A_105] : memref<819200x128xf32, #tpu.memory_space<hbm>> -> memref<128x128xf32, #tpu.memory_space<hbm>>
      tpu.enqueue_dma source(%arg10 : memref<128x128xf32, #tpu.memory_space<vmem>>) target(%dma_start3A_106 : memref<128x128xf32, #tpu.memory_space<hbm>>) target_semaphore(%arg18 : memref<!tpu.dma_semaphore, #tpu.memory_space<semaphore_mem>>)
      %add3A_107 = arith.constant 128 : i32
      %add3A_108 = arith.addi %add3A_94, %add3A_107 : i32
      %dma_wait3A_109 = arith.constant 0 : i32
      %dma_wait3A_110 = arith.constant 0 : i32
      %dma_wait3A_111 = tpu.memref_slice %arg5[%dma_wait3A_109, %dma_wait3A_110] : memref<100x128xf32, #tpu.memory_space<vmem_shared>> -> memref<100x128xf32, #tpu.memory_space<vmem_shared>>
      tpu.wait_indirect_dma semaphore(%arg15 : memref<!tpu.dma_semaphore, #tpu.memory_space<semaphore_mem>>) src(%dma_wait3A_111 : memref<100x128xf32, #tpu.memory_space<vmem_shared>>) dst(%arg11 : memref<128x128xf32, #tpu.memory_space<vmem>>)
      %dma_start3A_112 = arith.constant 0 : i32
      %dma_start3A_113 = tpu.memref_slice %arg4[%add3A_108, %dma_start3A_112] : memref<819200x128xf32, #tpu.memory_space<hbm>> -> memref<128x128xf32, #tpu.memory_space<hbm>>
      %dma_start3A_114 = arith.constant 0 : i32
      %dma_start3A_115 = tpu.memref_slice %arg4[%add3A_108, %dma_start3A_114] : memref<819200x128xf32, #tpu.memory_space<hbm>> -> memref<128x128xf32, #tpu.memory_space<hbm>>
      tpu.enqueue_dma source(%arg11 : memref<128x128xf32, #tpu.memory_space<vmem>>) target(%dma_start3A_115 : memref<128x128xf32, #tpu.memory_space<hbm>>) target_semaphore(%arg19 : memref<!tpu.dma_semaphore, #tpu.memory_space<semaphore_mem>>)
      %add3A_116 = arith.constant 256 : i32
      %add3A_117 = arith.addi %add3A_94, %add3A_116 : i32
      %dma_wait3A_118 = arith.constant 0 : i32
      %dma_wait3A_119 = arith.constant 0 : i32
      %dma_wait3A_120 = tpu.memref_slice %arg5[%dma_wait3A_118, %dma_wait3A_119] : memref<100x128xf32, #tpu.memory_space<vmem_shared>> -> memref<100x128xf32, #tpu.memory_space<vmem_shared>>
      tpu.wait_indirect_dma semaphore(%arg16 : memref<!tpu.dma_semaphore, #tpu.memory_space<semaphore_mem>>) src(%dma_wait3A_120 : memref<100x128xf32, #tpu.memory_space<vmem_shared>>) dst(%arg12 : memref<128x128xf32, #tpu.memory_space<vmem>>)
      %dma_start3A_121 = arith.constant 0 : i32
      %dma_start3A_122 = tpu.memref_slice %arg4[%add3A_117, %dma_start3A_121] : memref<819200x128xf32, #tpu.memory_space<hbm>> -> memref<128x128xf32, #tpu.memory_space<hbm>>
      %dma_start3A_123 = arith.constant 0 : i32
      %dma_start3A_124 = tpu.memref_slice %arg4[%add3A_117, %dma_start3A_123] : memref<819200x128xf32, #tpu.memory_space<hbm>> -> memref<128x128xf32, #tpu.memory_space<hbm>>
      tpu.enqueue_dma source(%arg12 : memref<128x128xf32, #tpu.memory_space<vmem>>) target(%dma_start3A_124 : memref<128x128xf32, #tpu.memory_space<hbm>>) target_semaphore(%arg20 : memref<!tpu.dma_semaphore, #tpu.memory_space<semaphore_mem>>)
      %add3A_125 = arith.constant 384 : i32
      %add3A_126 = arith.addi %add3A_94, %add3A_125 : i32
      %dma_wait3A_127 = arith.constant 0 : i32
      %dma_wait3A_128 = arith.constant 0 : i32
      %dma_wait3A_129 = tpu.memref_slice %arg5[%dma_wait3A_127, %dma_wait3A_128] : memref<100x128xf32, #tpu.memory_space<vmem_shared>> -> memref<100x128xf32, #tpu.memory_space<vmem_shared>>
      tpu.wait_indirect_dma semaphore(%arg17 : memref<!tpu.dma_semaphore, #tpu.memory_space<semaphore_mem>>) src(%dma_wait3A_129 : memref<100x128xf32, #tpu.memory_space<vmem_shared>>) dst(%arg13 : memref<128x128xf32, #tpu.memory_space<vmem>>)
      %dma_start3A_130 = arith.constant 0 : i32
      %dma_start3A_131 = tpu.memref_slice %arg4[%add3A_126, %dma_start3A_130] : memref<819200x128xf32, #tpu.memory_space<hbm>> -> memref<128x128xf32, #tpu.memory_space<hbm>>
      %dma_start3A_132 = arith.constant 0 : i32
      %dma_start3A_133 = tpu.memref_slice %arg4[%add3A_126, %dma_start3A_132] : memref<819200x128xf32, #tpu.memory_space<hbm>> -> memref<128x128xf32, #tpu.memory_space<hbm>>
      tpu.enqueue_dma source(%arg13 : memref<128x128xf32, #tpu.memory_space<vmem>>) target(%dma_start3A_133 : memref<128x128xf32, #tpu.memory_space<hbm>>) target_semaphore(%arg21 : memref<!tpu.dma_semaphore, #tpu.memory_space<semaphore_mem>>)
      %dma_wait3A_134 = arith.constant 0 : i32
      %dma_wait3A_135 = arith.constant 0 : i32
      %dma_wait3A_136 = tpu.memref_slice %arg4[%dma_wait3A_134, %dma_wait3A_135] : memref<819200x128xf32, #tpu.memory_space<hbm>> -> memref<128x128xf32, #tpu.memory_space<hbm>>
      %dma_wait3A_137 = arith.constant 0 : i32
      %dma_wait3A_138 = arith.constant 0 : i32
      %dma_wait3A_139 = tpu.memref_slice %arg4[%dma_wait3A_137, %dma_wait3A_138] : memref<819200x128xf32, #tpu.memory_space<hbm>> -> memref<128x128xf32, #tpu.memory_space<hbm>>
      tpu.wait_dma2 semaphore(%arg18 : memref<!tpu.dma_semaphore, #tpu.memory_space<semaphore_mem>>) src(%arg10 : memref<128x128xf32, #tpu.memory_space<vmem>>) dst(%dma_wait3A_139 : memref<128x128xf32, #tpu.memory_space<hbm>>)
      %add3A_140 = arith.constant 0 : i32
      %add3A_141 = arith.addi %add3A_97, %add3A_140 : i32
      "tpu.region"() ({
        %run_scoped3A = tpu.sem_alloc : memref<!tpu.dma_semaphore, #tpu.memory_space<semaphore_mem>>
        %dma_start3A_178 = tpu.memref_slice %arg3[%add3A_141] : memref<819200xi32, #tpu.memory_space<hbm>> -> memref<128xi32, #tpu.memory_space<hbm>>
        %dma_start3A_179 = tpu.memref_slice %arg3[%add3A_141] : memref<819200xi32, #tpu.memory_space<hbm>> -> memref<128xi32, #tpu.memory_space<hbm>>
        tpu.enqueue_dma source(%dma_start3A_179 : memref<128xi32, #tpu.memory_space<hbm>>) target(%arg6 : memref<128xi32, #tpu.memory_space<vmem>>) target_semaphore(%run_scoped3A : memref<!tpu.dma_semaphore, #tpu.memory_space<semaphore_mem>>)
        %dma_wait3A_180 = tpu.memref_slice %arg3[%add3A_141] : memref<819200xi32, #tpu.memory_space<hbm>> -> memref<128xi32, #tpu.memory_space<hbm>>
        %dma_wait3A_181 = tpu.memref_slice %arg3[%add3A_141] : memref<819200xi32, #tpu.memory_space<hbm>> -> memref<128xi32, #tpu.memory_space<hbm>>
        tpu.wait_dma2 semaphore(%run_scoped3A : memref<!tpu.dma_semaphore, #tpu.memory_space<semaphore_mem>>) src(%dma_wait3A_181 : memref<128xi32, #tpu.memory_space<hbm>>) dst(%arg6 : memref<128xi32, #tpu.memory_space<vmem>>)
        tpu.yield
      }) : () -> ()
      %dma_start3A_142 = arith.constant 0 : i32
      %dma_start3A_143 = arith.constant 0 : i32
      %dma_start3A_144 = tpu.memref_slice %arg5[%dma_start3A_142, %dma_start3A_143] : memref<100x128xf32, #tpu.memory_space<vmem_shared>> -> memref<100x128xf32, #tpu.memory_space<vmem_shared>>
      tpu.enqueue_indirect_dma source(%dma_start3A_144 : memref<100x128xf32, #tpu.memory_space<vmem_shared>>) target(%arg10 : memref<128x128xf32, #tpu.memory_space<vmem>>) offsets(%arg6 : memref<128xi32, #tpu.memory_space<vmem>>) semaphore(%arg14 : memref<!tpu.dma_semaphore, #tpu.memory_space<semaphore_mem>>)
      %dma_wait3A_145 = arith.constant 0 : i32
      %dma_wait3A_146 = arith.constant 0 : i32
      %dma_wait3A_147 = tpu.memref_slice %arg4[%dma_wait3A_145, %dma_wait3A_146] : memref<819200x128xf32, #tpu.memory_space<hbm>> -> memref<128x128xf32, #tpu.memory_space<hbm>>
      %dma_wait3A_148 = arith.constant 0 : i32
      %dma_wait3A_149 = arith.constant 0 : i32
      %dma_wait3A_150 = tpu.memref_slice %arg4[%dma_wait3A_148, %dma_wait3A_149] : memref<819200x128xf32, #tpu.memory_space<hbm>> -> memref<128x128xf32, #tpu.memory_space<hbm>>
      tpu.wait_dma2 semaphore(%arg19 : memref<!tpu.dma_semaphore, #tpu.memory_space<semaphore_mem>>) src(%arg11 : memref<128x128xf32, #tpu.memory_space<vmem>>) dst(%dma_wait3A_150 : memref<128x128xf32, #tpu.memory_space<hbm>>)
      %add3A_151 = arith.constant 128 : i32
      %add3A_152 = arith.addi %add3A_97, %add3A_151 : i32
      "tpu.region"() ({
        %run_scoped3A = tpu.sem_alloc : memref<!tpu.dma_semaphore, #tpu.memory_space<semaphore_mem>>
        %dma_start3A_178 = tpu.memref_slice %arg3[%add3A_152] : memref<819200xi32, #tpu.memory_space<hbm>> -> memref<128xi32, #tpu.memory_space<hbm>>
        %dma_start3A_179 = tpu.memref_slice %arg3[%add3A_152] : memref<819200xi32, #tpu.memory_space<hbm>> -> memref<128xi32, #tpu.memory_space<hbm>>
        tpu.enqueue_dma source(%dma_start3A_179 : memref<128xi32, #tpu.memory_space<hbm>>) target(%arg7 : memref<128xi32, #tpu.memory_space<vmem>>) target_semaphore(%run_scoped3A : memref<!tpu.dma_semaphore, #tpu.memory_space<semaphore_mem>>)
        %dma_wait3A_180 = tpu.memref_slice %arg3[%add3A_152] : memref<819200xi32, #tpu.memory_space<hbm>> -> memref<128xi32, #tpu.memory_space<hbm>>
        %dma_wait3A_181 = tpu.memref_slice %arg3[%add3A_152] : memref<819200xi32, #tpu.memory_space<hbm>> -> memref<128xi32, #tpu.memory_space<hbm>>
        tpu.wait_dma2 semaphore(%run_scoped3A : memref<!tpu.dma_semaphore, #tpu.memory_space<semaphore_mem>>) src(%dma_wait3A_181 : memref<128xi32, #tpu.memory_space<hbm>>) dst(%arg7 : memref<128xi32, #tpu.memory_space<vmem>>)
        tpu.yield
      }) : () -> ()
      %dma_start3A_153 = arith.constant 0 : i32
      %dma_start3A_154 = arith.constant 0 : i32
      %dma_start3A_155 = tpu.memref_slice %arg5[%dma_start3A_153, %dma_start3A_154] : memref<100x128xf32, #tpu.memory_space<vmem_shared>> -> memref<100x128xf32, #tpu.memory_space<vmem_shared>>
      tpu.enqueue_indirect_dma source(%dma_start3A_155 : memref<100x128xf32, #tpu.memory_space<vmem_shared>>) target(%arg11 : memref<128x128xf32, #tpu.memory_space<vmem>>) offsets(%arg7 : memref<128xi32, #tpu.memory_space<vmem>>) semaphore(%arg15 : memref<!tpu.dma_semaphore, #tpu.memory_space<semaphore_mem>>)
      %dma_wait3A_156 = arith.constant 0 : i32
      %dma_wait3A_157 = arith.constant 0 : i32
      %dma_wait3A_158 = tpu.memref_slice %arg4[%dma_wait3A_156, %dma_wait3A_157] : memref<819200x128xf32, #tpu.memory_space<hbm>> -> memref<128x128xf32, #tpu.memory_space<hbm>>
      %dma_wait3A_159 = arith.constant 0 : i32
      %dma_wait3A_160 = arith.constant 0 : i32
      %dma_wait3A_161 = tpu.memref_slice %arg4[%dma_wait3A_159, %dma_wait3A_160] : memref<819200x128xf32, #tpu.memory_space<hbm>> -> memref<128x128xf32, #tpu.memory_space<hbm>>
      tpu.wait_dma2 semaphore(%arg20 : memref<!tpu.dma_semaphore, #tpu.memory_space<semaphore_mem>>) src(%arg12 : memref<128x128xf32, #tpu.memory_space<vmem>>) dst(%dma_wait3A_161 : memref<128x128xf32, #tpu.memory_space<hbm>>)
      %add3A_162 = arith.constant 256 : i32
      %add3A_163 = arith.addi %add3A_97, %add3A_162 : i32
      "tpu.region"() ({
        %run_scoped3A = tpu.sem_alloc : memref<!tpu.dma_semaphore, #tpu.memory_space<semaphore_mem>>
        %dma_start3A_178 = tpu.memref_slice %arg3[%add3A_163] : memref<819200xi32, #tpu.memory_space<hbm>> -> memref<128xi32, #tpu.memory_space<hbm>>
        %dma_start3A_179 = tpu.memref_slice %arg3[%add3A_163] : memref<819200xi32, #tpu.memory_space<hbm>> -> memref<128xi32, #tpu.memory_space<hbm>>
        tpu.enqueue_dma source(%dma_start3A_179 : memref<128xi32, #tpu.memory_space<hbm>>) target(%arg8 : memref<128xi32, #tpu.memory_space<vmem>>) target_semaphore(%run_scoped3A : memref<!tpu.dma_semaphore, #tpu.memory_space<semaphore_mem>>)
        %dma_wait3A_180 = tpu.memref_slice %arg3[%add3A_163] : memref<819200xi32, #tpu.memory_space<hbm>> -> memref<128xi32, #tpu.memory_space<hbm>>
        %dma_wait3A_181 = tpu.memref_slice %arg3[%add3A_163] : memref<819200xi32, #tpu.memory_space<hbm>> -> memref<128xi32, #tpu.memory_space<hbm>>
        tpu.wait_dma2 semaphore(%run_scoped3A : memref<!tpu.dma_semaphore, #tpu.memory_space<semaphore_mem>>) src(%dma_wait3A_181 : memref<128xi32, #tpu.memory_space<hbm>>) dst(%arg8 : memref<128xi32, #tpu.memory_space<vmem>>)
        tpu.yield
      }) : () -> ()
      %dma_start3A_164 = arith.constant 0 : i32
      %dma_start3A_165 = arith.constant 0 : i32
      %dma_start3A_166 = tpu.memref_slice %arg5[%dma_start3A_164, %dma_start3A_165] : memref<100x128xf32, #tpu.memory_space<vmem_shared>> -> memref<100x128xf32, #tpu.memory_space<vmem_shared>>
      tpu.enqueue_indirect_dma source(%dma_start3A_166 : memref<100x128xf32, #tpu.memory_space<vmem_shared>>) target(%arg12 : memref<128x128xf32, #tpu.memory_space<vmem>>) offsets(%arg8 : memref<128xi32, #tpu.memory_space<vmem>>) semaphore(%arg16 : memref<!tpu.dma_semaphore, #tpu.memory_space<semaphore_mem>>)
      %dma_wait3A_167 = arith.constant 0 : i32
      %dma_wait3A_168 = arith.constant 0 : i32
      %dma_wait3A_169 = tpu.memref_slice %arg4[%dma_wait3A_167, %dma_wait3A_168] : memref<819200x128xf32, #tpu.memory_space<hbm>> -> memref<128x128xf32, #tpu.memory_space<hbm>>
      %dma_wait3A_170 = arith.constant 0 : i32
      %dma_wait3A_171 = arith.constant 0 : i32
      %dma_wait3A_172 = tpu.memref_slice %arg4[%dma_wait3A_170, %dma_wait3A_171] : memref<819200x128xf32, #tpu.memory_space<hbm>> -> memref<128x128xf32, #tpu.memory_space<hbm>>
      tpu.wait_dma2 semaphore(%arg21 : memref<!tpu.dma_semaphore, #tpu.memory_space<semaphore_mem>>) src(%arg13 : memref<128x128xf32, #tpu.memory_space<vmem>>) dst(%dma_wait3A_172 : memref<128x128xf32, #tpu.memory_space<hbm>>)
      %add3A_173 = arith.constant 384 : i32
      %add3A_174 = arith.addi %add3A_97, %add3A_173 : i32
      "tpu.region"() ({
        %run_scoped3A = tpu.sem_alloc : memref<!tpu.dma_semaphore, #tpu.memory_space<semaphore_mem>>
        %dma_start3A_178 = tpu.memref_slice %arg3[%add3A_174] : memref<819200xi32, #tpu.memory_space<hbm>> -> memref<128xi32, #tpu.memory_space<hbm>>
        %dma_start3A_179 = tpu.memref_slice %arg3[%add3A_174] : memref<819200xi32, #tpu.memory_space<hbm>> -> memref<128xi32, #tpu.memory_space<hbm>>
        tpu.enqueue_dma source(%dma_start3A_179 : memref<128xi32, #tpu.memory_space<hbm>>) target(%arg9 : memref<128xi32, #tpu.memory_space<vmem>>) target_semaphore(%run_scoped3A : memref<!tpu.dma_semaphore, #tpu.memory_space<semaphore_mem>>)
        %dma_wait3A_180 = tpu.memref_slice %arg3[%add3A_174] : memref<819200xi32, #tpu.memory_space<hbm>> -> memref<128xi32, #tpu.memory_space<hbm>>
        %dma_wait3A_181 = tpu.memref_slice %arg3[%add3A_174] : memref<819200xi32, #tpu.memory_space<hbm>> -> memref<128xi32, #tpu.memory_space<hbm>>
        tpu.wait_dma2 semaphore(%run_scoped3A : memref<!tpu.dma_semaphore, #tpu.memory_space<semaphore_mem>>) src(%dma_wait3A_181 : memref<128xi32, #tpu.memory_space<hbm>>) dst(%arg9 : memref<128xi32, #tpu.memory_space<vmem>>)
        tpu.yield
      }) : () -> ()
      %dma_start3A_175 = arith.constant 0 : i32
      %dma_start3A_176 = arith.constant 0 : i32
      %dma_start3A_177 = tpu.memref_slice %arg5[%dma_start3A_175, %dma_start3A_176] : memref<100x128xf32, #tpu.memory_space<vmem_shared>> -> memref<100x128xf32, #tpu.memory_space<vmem_shared>>
      tpu.enqueue_indirect_dma source(%dma_start3A_177 : memref<100x128xf32, #tpu.memory_space<vmem_shared>>) target(%arg13 : memref<128x128xf32, #tpu.memory_space<vmem>>) offsets(%arg9 : memref<128xi32, #tpu.memory_space<vmem>>) semaphore(%arg17 : memref<!tpu.dma_semaphore, #tpu.memory_space<semaphore_mem>>)
    }
    %scan3A_28 = arith.constant 49 : i32
    %add3A_29 = arith.constant 25088 : i32
    %add3A_30 = arith.addi %mul3A_2, %add3A_29 : i32
    %add3A_31 = arith.constant 0 : i32
    %add3A_32 = arith.addi %add3A_30, %add3A_31 : i32
    %dma_wait3A = arith.constant 0 : i32
    %dma_wait3A_33 = arith.constant 0 : i32
    %dma_wait3A_34 = tpu.memref_slice %arg5[%dma_wait3A, %dma_wait3A_33] : memref<100x128xf32, #tpu.memory_space<vmem_shared>> -> memref<100x128xf32, #tpu.memory_space<vmem_shared>>
    tpu.wait_indirect_dma semaphore(%arg14 : memref<!tpu.dma_semaphore, #tpu.memory_space<semaphore_mem>>) src(%dma_wait3A_34 : memref<100x128xf32, #tpu.memory_space<vmem_shared>>) dst(%arg10 : memref<128x128xf32, #tpu.memory_space<vmem>>)
    %dma_start3A_35 = arith.constant 0 : i32
    %dma_start3A_36 = tpu.memref_slice %arg4[%add3A_32, %dma_start3A_35] : memref<819200x128xf32, #tpu.memory_space<hbm>> -> memref<128x128xf32, #tpu.memory_space<hbm>>
    %dma_start3A_37 = arith.constant 0 : i32
    %dma_start3A_38 = tpu.memref_slice %arg4[%add3A_32, %dma_start3A_37] : memref<819200x128xf32, #tpu.memory_space<hbm>> -> memref<128x128xf32, #tpu.memory_space<hbm>>
    tpu.enqueue_dma source(%arg10 : memref<128x128xf32, #tpu.memory_space<vmem>>) target(%dma_start3A_38 : memref<128x128xf32, #tpu.memory_space<hbm>>) target_semaphore(%arg18 : memref<!tpu.dma_semaphore, #tpu.memory_space<semaphore_mem>>)
    %add3A_39 = arith.constant 128 : i32
    %add3A_40 = arith.addi %add3A_30, %add3A_39 : i32
    %dma_wait3A_41 = arith.constant 0 : i32
    %dma_wait3A_42 = arith.constant 0 : i32
    %dma_wait3A_43 = tpu.memref_slice %arg5[%dma_wait3A_41, %dma_wait3A_42] : memref<100x128xf32, #tpu.memory_space<vmem_shared>> -> memref<100x128xf32, #tpu.memory_space<vmem_shared>>
    tpu.wait_indirect_dma semaphore(%arg15 : memref<!tpu.dma_semaphore, #tpu.memory_space<semaphore_mem>>) src(%dma_wait3A_43 : memref<100x128xf32, #tpu.memory_space<vmem_shared>>) dst(%arg11 : memref<128x128xf32, #tpu.memory_space<vmem>>)
    %dma_start3A_44 = arith.constant 0 : i32
    %dma_start3A_45 = tpu.memref_slice %arg4[%add3A_40, %dma_start3A_44] : memref<819200x128xf32, #tpu.memory_space<hbm>> -> memref<128x128xf32, #tpu.memory_space<hbm>>
    %dma_start3A_46 = arith.constant 0 : i32
    %dma_start3A_47 = tpu.memref_slice %arg4[%add3A_40, %dma_start3A_46] : memref<819200x128xf32, #tpu.memory_space<hbm>> -> memref<128x128xf32, #tpu.memory_space<hbm>>
    tpu.enqueue_dma source(%arg11 : memref<128x128xf32, #tpu.memory_space<vmem>>) target(%dma_start3A_47 : memref<128x128xf32, #tpu.memory_space<hbm>>) target_semaphore(%arg19 : memref<!tpu.dma_semaphore, #tpu.memory_space<semaphore_mem>>)
    %add3A_48 = arith.constant 256 : i32
    %add3A_49 = arith.addi %add3A_30, %add3A_48 : i32
    %dma_wait3A_50 = arith.constant 0 : i32
    %dma_wait3A_51 = arith.constant 0 : i32
    %dma_wait3A_52 = tpu.memref_slice %arg5[%dma_wait3A_50, %dma_wait3A_51] : memref<100x128xf32, #tpu.memory_space<vmem_shared>> -> memref<100x128xf32, #tpu.memory_space<vmem_shared>>
    tpu.wait_indirect_dma semaphore(%arg16 : memref<!tpu.dma_semaphore, #tpu.memory_space<semaphore_mem>>) src(%dma_wait3A_52 : memref<100x128xf32, #tpu.memory_space<vmem_shared>>) dst(%arg12 : memref<128x128xf32, #tpu.memory_space<vmem>>)
    %dma_start3A_53 = arith.constant 0 : i32
    %dma_start3A_54 = tpu.memref_slice %arg4[%add3A_49, %dma_start3A_53] : memref<819200x128xf32, #tpu.memory_space<hbm>> -> memref<128x128xf32, #tpu.memory_space<hbm>>
    %dma_start3A_55 = arith.constant 0 : i32
    %dma_start3A_56 = tpu.memref_slice %arg4[%add3A_49, %dma_start3A_55] : memref<819200x128xf32, #tpu.memory_space<hbm>> -> memref<128x128xf32, #tpu.memory_space<hbm>>
    tpu.enqueue_dma source(%arg12 : memref<128x128xf32, #tpu.memory_space<vmem>>) target(%dma_start3A_56 : memref<128x128xf32, #tpu.memory_space<hbm>>) target_semaphore(%arg20 : memref<!tpu.dma_semaphore, #tpu.memory_space<semaphore_mem>>)
    %add3A_57 = arith.constant 384 : i32
    %add3A_58 = arith.addi %add3A_30, %add3A_57 : i32
    %dma_wait3A_59 = arith.constant 0 : i32
    %dma_wait3A_60 = arith.constant 0 : i32
    %dma_wait3A_61 = tpu.memref_slice %arg5[%dma_wait3A_59, %dma_wait3A_60] : memref<100x128xf32, #tpu.memory_space<vmem_shared>> -> memref<100x128xf32, #tpu.memory_space<vmem_shared>>
    tpu.wait_indirect_dma semaphore(%arg17 : memref<!tpu.dma_semaphore, #tpu.memory_space<semaphore_mem>>) src(%dma_wait3A_61 : memref<100x128xf32, #tpu.memory_space<vmem_shared>>) dst(%arg13 : memref<128x128xf32, #tpu.memory_space<vmem>>)
    %dma_start3A_62 = arith.constant 0 : i32
    %dma_start3A_63 = tpu.memref_slice %arg4[%add3A_58, %dma_start3A_62] : memref<819200x128xf32, #tpu.memory_space<hbm>> -> memref<128x128xf32, #tpu.memory_space<hbm>>
    %dma_start3A_64 = arith.constant 0 : i32
    %dma_start3A_65 = tpu.memref_slice %arg4[%add3A_58, %dma_start3A_64] : memref<819200x128xf32, #tpu.memory_space<hbm>> -> memref<128x128xf32, #tpu.memory_space<hbm>>
    tpu.enqueue_dma source(%arg13 : memref<128x128xf32, #tpu.memory_space<vmem>>) target(%dma_start3A_65 : memref<128x128xf32, #tpu.memory_space<hbm>>) target_semaphore(%arg21 : memref<!tpu.dma_semaphore, #tpu.memory_space<semaphore_mem>>)
    %dma_wait3A_66 = arith.constant 0 : i32
    %dma_wait3A_67 = arith.constant 0 : i32
    %dma_wait3A_68 = tpu.memref_slice %arg4[%dma_wait3A_66, %dma_wait3A_67] : memref<819200x128xf32, #tpu.memory_space<hbm>> -> memref<128x128xf32, #tpu.memory_space<hbm>>
    %dma_wait3A_69 = arith.constant 0 : i32
    %dma_wait3A_70 = arith.constant 0 : i32
    %dma_wait3A_71 = tpu.memref_slice %arg4[%dma_wait3A_69, %dma_wait3A_70] : memref<819200x128xf32, #tpu.memory_space<hbm>> -> memref<128x128xf32, #tpu.memory_space<hbm>>
    tpu.wait_dma2 semaphore(%arg18 : memref<!tpu.dma_semaphore, #tpu.memory_space<semaphore_mem>>) src(%arg10 : memref<128x128xf32, #tpu.memory_space<vmem>>) dst(%dma_wait3A_71 : memref<128x128xf32, #tpu.memory_space<hbm>>)
    %dma_wait3A_72 = arith.constant 0 : i32
    %dma_wait3A_73 = arith.constant 0 : i32
    %dma_wait3A_74 = tpu.memref_slice %arg4[%dma_wait3A_72, %dma_wait3A_73] : memref<819200x128xf32, #tpu.memory_space<hbm>> -> memref<128x128xf32, #tpu.memory_space<hbm>>
    %dma_wait3A_75 = arith.constant 0 : i32
    %dma_wait3A_76 = arith.constant 0 : i32
    %dma_wait3A_77 = tpu.memref_slice %arg4[%dma_wait3A_75, %dma_wait3A_76] : memref<819200x128xf32, #tpu.memory_space<hbm>> -> memref<128x128xf32, #tpu.memory_space<hbm>>
    tpu.wait_dma2 semaphore(%arg19 : memref<!tpu.dma_semaphore, #tpu.memory_space<semaphore_mem>>) src(%arg11 : memref<128x128xf32, #tpu.memory_space<vmem>>) dst(%dma_wait3A_77 : memref<128x128xf32, #tpu.memory_space<hbm>>)
    %dma_wait3A_78 = arith.constant 0 : i32
    %dma_wait3A_79 = arith.constant 0 : i32
    %dma_wait3A_80 = tpu.memref_slice %arg4[%dma_wait3A_78, %dma_wait3A_79] : memref<819200x128xf32, #tpu.memory_space<hbm>> -> memref<128x128xf32, #tpu.memory_space<hbm>>
    %dma_wait3A_81 = arith.constant 0 : i32
    %dma_wait3A_82 = arith.constant 0 : i32
    %dma_wait3A_83 = tpu.memref_slice %arg4[%dma_wait3A_81, %dma_wait3A_82] : memref<819200x128xf32, #tpu.memory_space<hbm>> -> memref<128x128xf32, #tpu.memory_space<hbm>>
    tpu.wait_dma2 semaphore(%arg20 : memref<!tpu.dma_semaphore, #tpu.memory_space<semaphore_mem>>) src(%arg12 : memref<128x128xf32, #tpu.memory_space<vmem>>) dst(%dma_wait3A_83 : memref<128x128xf32, #tpu.memory_space<hbm>>)
    %dma_wait3A_84 = arith.constant 0 : i32
    %dma_wait3A_85 = arith.constant 0 : i32
    %dma_wait3A_86 = tpu.memref_slice %arg4[%dma_wait3A_84, %dma_wait3A_85] : memref<819200x128xf32, #tpu.memory_space<hbm>> -> memref<128x128xf32, #tpu.memory_space<hbm>>
    %dma_wait3A_87 = arith.constant 0 : i32
    %dma_wait3A_88 = arith.constant 0 : i32
    %dma_wait3A_89 = tpu.memref_slice %arg4[%dma_wait3A_87, %dma_wait3A_88] : memref<819200x128xf32, #tpu.memory_space<hbm>> -> memref<128x128xf32, #tpu.memory_space<hbm>>
    tpu.wait_dma2 semaphore(%arg21 : memref<!tpu.dma_semaphore, #tpu.memory_space<semaphore_mem>>) src(%arg13 : memref<128x128xf32, #tpu.memory_space<vmem>>) dst(%dma_wait3A_89 : memref<128x128xf32, #tpu.memory_space<hbm>>)
    return
  }
}

module attributes {stable_mosaic.version = 14 : i64} {
  func.func @_idx_body(%arg0: i32, %arg1: memref<1x1x4096xf32, #tpu.memory_space<vmem>>, %arg2: memref<128x1xf32, #tpu.memory_space<vmem>>, %arg3: memref<128x1xf32, #tpu.memory_space<vmem>>, %arg4: memref<128x128xf32, #tpu.memory_space<vmem>>, %arg5: memref<128x1xf32, #tpu.memory_space<vmem>>, %arg6: memref<1x128xf32, #tpu.memory_space<vmem>>, %arg7: memref<1x1x4096xi32, #tpu.memory_space<vmem>>) attributes {dimension_semantics = [#tpu.dimension_semantics<arbitrary>], iteration_bounds = array<i64: 200>, scalar_prefetch = 0 : i64, scratch_operands = 0 : i64, tpu.core_type = #tpu.core_type<tc>, window_params = [{transform_indices = @transform_0, window_bounds = array<i64: 1, 1, 4096>}, {pipeline_mode = #tpu.pipeline_mode<synchronous>, transform_indices = @transform_1, window_bounds = array<i64: 128, 1>}, {pipeline_mode = #tpu.pipeline_mode<synchronous>, transform_indices = @transform_2, window_bounds = array<i64: 128, 1>}, {pipeline_mode = #tpu.pipeline_mode<synchronous>, transform_indices = @transform_3, window_bounds = array<i64: 128, 128>}, {pipeline_mode = #tpu.pipeline_mode<synchronous>, transform_indices = @transform_4, window_bounds = array<i64: 128, 1>}, {pipeline_mode = #tpu.pipeline_mode<synchronous>, transform_indices = @transform_5, window_bounds = array<i64: 1, 128>}, {transform_indices = @transform_6, window_bounds = array<i64: 1, 1, 4096>}]} {
    %get3A = arith.constant 0 : index
    %get3A_0 = arith.constant 0 : index
    %get3A_1 = arith.constant 0 : index
    %get3A_2 = vector.load %arg1[%get3A, %get3A_0, %get3A_1] : memref<1x1x4096xf32, #tpu.memory_space<vmem>>, vector<1x1x4096xf32>
    %get3A_3 = vector.shape_cast %get3A_2 : vector<1x1x4096xf32> to vector<1x4096xf32>
    %get3A_4 = arith.constant 0 : index
    %get3A_5 = arith.constant 0 : index
    %get3A_6 = vector.load %arg2[%get3A_4, %get3A_5] : memref<128x1xf32, #tpu.memory_space<vmem>>, vector<128x1xf32>
    %mul3A = vector.broadcast %get3A_6 : vector<128x1xf32> to vector<128x4096xf32>
    %mul3A_7 = vector.broadcast %get3A_3 : vector<1x4096xf32> to vector<128x4096xf32>
    %mul3A_8 = arith.mulf %mul3A, %mul3A_7 : vector<128x4096xf32>
    %get3A_9 = arith.constant 0 : index
    %get3A_10 = arith.constant 0 : index
    %get3A_11 = vector.load %arg3[%get3A_9, %get3A_10] : memref<128x1xf32, #tpu.memory_space<vmem>>, vector<128x1xf32>
    %add3A = vector.broadcast %get3A_11 : vector<128x1xf32> to vector<128x4096xf32>
    %add3A_12 = arith.addf %mul3A_8, %add3A : vector<128x4096xf32>
    %max3A = arith.constant 0.000000e+00 : f32
    %max3A_13 = vector.broadcast %max3A : f32 to vector<128x4096xf32>
    %max3A_14 = arith.maximumf %add3A_12, %max3A_13 : vector<128x4096xf32>
    %get3A_15 = arith.constant 0 : index
    %get3A_16 = arith.constant 0 : index
    %get3A_17 = vector.load %arg4[%get3A_15, %get3A_16] : memref<128x128xf32, #tpu.memory_space<vmem>>, vector<128x128xf32>
    %dot_general3A = arith.constant dense<0.000000e+00> : vector<128x4096xf32>
    %dot_general3A_18 = tpu.matmul %get3A_17, %max3A_14, %dot_general3A {dimension_numbers = #tpu.dot_dimension_numbers<[1], [0], [0], [1], [0, 0, 1, 1], [], []>, transpose_lhs_hint = false} : vector<128x128xf32>, vector<128x4096xf32>, vector<128x4096xf32> -> vector<128x4096xf32>
    %get3A_19 = arith.constant 0 : index
    %get3A_20 = arith.constant 0 : index
    %get3A_21 = vector.load %arg5[%get3A_19, %get3A_20] : memref<128x1xf32, #tpu.memory_space<vmem>>, vector<128x1xf32>
    %add3A_22 = vector.broadcast %get3A_21 : vector<128x1xf32> to vector<128x4096xf32>
    %add3A_23 = arith.addf %dot_general3A_18, %add3A_22 : vector<128x4096xf32>
    %max3A_24 = arith.constant 0.000000e+00 : f32
    %max3A_25 = vector.broadcast %max3A_24 : f32 to vector<128x4096xf32>
    %max3A_26 = arith.maximumf %add3A_23, %max3A_25 : vector<128x4096xf32>
    %reduce_max3A = arith.constant dense<0xFF800000> : vector<4096xf32>
    %reduce_max3A_27 = vector.multi_reduction <maximumf>, %max3A_26, %reduce_max3A [0] : vector<128x4096xf32> to vector<4096xf32>
    %broadcast_in_dim3A = vector.shape_cast %reduce_max3A_27 : vector<4096xf32> to vector<1x4096xf32>
    %ge3A = vector.broadcast %broadcast_in_dim3A : vector<1x4096xf32> to vector<128x4096xf32>
    %ge3A_28 = arith.cmpf oge, %max3A_26, %ge3A : vector<128x4096xf32>
    %convert_element_type3A = arith.extui %ge3A_28 : vector<128x4096xi1> to vector<128x4096xi32>
    %convert_element_type3A_29 = arith.sitofp %convert_element_type3A : vector<128x4096xi32> to vector<128x4096xf32>
    %get3A_30 = arith.constant 0 : index
    %get3A_31 = arith.constant 0 : index
    %get3A_32 = vector.load %arg6[%get3A_30, %get3A_31] : memref<1x128xf32, #tpu.memory_space<vmem>>, vector<1x128xf32>
    %dot_general3A_33 = arith.constant dense<0.000000e+00> : vector<1x4096xf32>
    %dot_general3A_34 = tpu.matmul %get3A_32, %convert_element_type3A_29, %dot_general3A_33 {dimension_numbers = #tpu.dot_dimension_numbers<[1], [0], [0], [1], [0, 0, 1, 1], [], []>, transpose_lhs_hint = false} : vector<1x128xf32>, vector<128x4096xf32>, vector<1x4096xf32> -> vector<1x4096xf32>
    %bitcast_convert_type3A = tpu.bitcast %dot_general3A_34 : vector<1x4096xf32> -> vector<1x4096xi32>
    %shift_right_arithmetic3A = arith.constant 23 : i32
    %shift_right_arithmetic3A_35 = vector.broadcast %shift_right_arithmetic3A : i32 to vector<1x4096xi32>
    %shift_right_arithmetic3A_36 = arith.shrsi %bitcast_convert_type3A, %shift_right_arithmetic3A_35 : vector<1x4096xi32>
    %sub3A = arith.constant 127 : i32
    %sub3A_37 = vector.broadcast %sub3A : i32 to vector<1x4096xi32>
    %sub3A_38 = arith.subi %sub3A_37, %shift_right_arithmetic3A_36 : vector<1x4096xi32>
    %max3A_39 = arith.constant 0 : i32
    %max3A_40 = vector.broadcast %max3A_39 : i32 to vector<1x4096xi32>
    %max3A_41 = arith.maxsi %sub3A_38, %max3A_40 : vector<1x4096xi32>
    %swap3A = arith.constant 0 : index
    %swap3A_42 = arith.constant 0 : index
    %swap3A_43 = arith.constant 0 : index
    %swap3A_44 = vector.load %arg7[%swap3A, %swap3A_42, %swap3A_43] : memref<1x1x4096xi32, #tpu.memory_space<vmem>>, vector<1x1x4096xi32>
    %swap3A_45 = vector.shape_cast %swap3A_44 : vector<1x1x4096xi32> to vector<1x4096xi32>
    %swap3A_46 = vector.shape_cast %max3A_41 : vector<1x4096xi32> to vector<1x1x4096xi32>
    tpu.vector_store %arg7[%swap3A, %swap3A_42, %swap3A_43], %swap3A_46 {strides = array<i32>} : memref<1x1x4096xi32, #tpu.memory_space<vmem>>, vector<1x1x4096xi32>,
    return
  }
  func.func @transform_0(%arg0: i32) -> (i32, i32, i32) {
    %c0_i32 = arith.constant 0 : i32
    %c0_i32_0 = arith.constant 0 : i32
    %c0_i32_1 = arith.constant 0 : i32
    return %arg0, %c0_i32, %c0_i32_0 : i32, i32, i32
  }
  func.func @transform_1(%arg0: i32) -> (i32, i32) {
    %c0_i32 = arith.constant 0 : i32
    %c0_i32_0 = arith.constant 0 : i32
    %c0_i32_1 = arith.constant 0 : i32
    return %c0_i32, %c0_i32_0 : i32, i32
  }
  func.func @transform_2(%arg0: i32) -> (i32, i32) {
    %c0_i32 = arith.constant 0 : i32
    %c0_i32_0 = arith.constant 0 : i32
    %c0_i32_1 = arith.constant 0 : i32
    return %c0_i32, %c0_i32_0 : i32, i32
  }
  func.func @transform_3(%arg0: i32) -> (i32, i32) {
    %c0_i32 = arith.constant 0 : i32
    %c0_i32_0 = arith.constant 0 : i32
    %c0_i32_1 = arith.constant 0 : i32
    return %c0_i32, %c0_i32_0 : i32, i32
  }
  func.func @transform_4(%arg0: i32) -> (i32, i32) {
    %c0_i32 = arith.constant 0 : i32
    %c0_i32_0 = arith.constant 0 : i32
    %c0_i32_1 = arith.constant 0 : i32
    return %c0_i32, %c0_i32_0 : i32, i32
  }
  func.func @transform_5(%arg0: i32) -> (i32, i32) {
    %c0_i32 = arith.constant 0 : i32
    %c0_i32_0 = arith.constant 0 : i32
    %c0_i32_1 = arith.constant 0 : i32
    return %c0_i32, %c0_i32_0 : i32, i32
  }
  func.func @transform_6(%arg0: i32) -> (i32, i32, i32) {
    %c0_i32 = arith.constant 0 : i32
    %c0_i32_0 = arith.constant 0 : i32
    %c0_i32_1 = arith.constant 0 : i32
    return %arg0, %c0_i32, %c0_i32_0 : i32, i32, i32
  }
}

</mosaic_0001>

<sc_bundles>
// kernel: kernel.4.cloned.1.call-start
scs
__scs_entry_jumppad:
0x0: {  	(pc) =	sbr.rel $0x88, $3  }
0x1: {  	(tag) =	ssettag $0x0;
	lr =	simm.s32 $0x1  }
0x2: {  	[smem:$0x3F9B] =	sst lr;
	_ =	strace $0xD0000000  }
0x3: {  	_ = 	snop  }
0x4: {  	_ = 	snop  }
0x5: {  	_ = 	snop  }
0x6: {  	_ = 	snop  }
0x7: {  	_ = 	snop  }
__scs_overlays_trampoline_lowered:
0x8: {  	[smem:$0x3FAA] =	sst s0  }
0x9: {  	[smem:$0x3FAB] =	sst s1  }
0xa: {  	[smem:$0x3FAC] =	sst s2  }
0xb: {  	[smem:$0x3FAD] =	sst s3  }
0xc: {  	[smem:$0x3FAE] =	sst s4  }
0xd: {  	[smem:$0x3FAF] =	sst s5  }
0xe: {  	[smem:$0x3FB0] =	sst s6  }
0xf: {  	[smem:$0x3FB1] =	sst s7  }
0x10: {  	[smem:$0x3FB2] =	sst s8  }
0x11: {  	[smem:$0x3FB3] =	sst s9;
	s0 =	simm.s32 @!p0 $0x0  }
0x12: {  	s1 =	sld [smem:$0x3F99];
	s0 =	simm.s32 @p0 $0x1  }
0x13: {  	[smem:$0x3FB4] =	sst s0;
	s0 =	simm.s32 @!p1 $0x0  }
0x14: {  	s2 =	sld [smem:$0x3F98];
	s0 =	simm.s32 @p1 $0x1  }
0x15: {  	[smem:$0x3FB5] =	sst s0;
	s0 =	simm.s32 @!p2 $0x0  }
0x16: {  	s3 =	sld [smem:$0x3FDB];
	s0 =	simm.s32 @p2 $0x1  }
0x17: {  	s4 =	simm.s32 $0x1BF5;
	[smem:$0x3FB7] =	sst s0  }
0x18: {  	s0 =	sld [smem:$0x3F9A];
	_ =	swait.ge [sflag:s4], $0x0  }
0x19: {  	s7 =	sld [smem:$0x3F9B]  }
0x1a: {  	s8 =	sadd.s32 $0xFFFFE003, lr  }
0x1b: {  	s9 =	sadd.s32 $0xFFFFFEF7, lr;
	s5 =	simm.s32 $0xFFFFFFFF;
	p2 =	slt.u32 s8, $0xFFFFF086  }
0x1c: {  	p1 =	slt.u32 s9, $0xF7A;
	s5 =	simm.s32 @!p2 $0x0  }
0x1d: {  	s5 =	simm.s32 @p1 $0x1;
	p0 =	seq.s32 s7, s2  }
0x1e: {  	s7 =	smul.u32 @!p0 $0xF7A, s2;
	p2 =	seq.s32 @!p0 s5, $0x0  }
0x1f: {  	s9 =	smul.u32 $0xF7A, s1;
	s8 =	simm.s32 @!p0 $0x1BF5;
	p2 =	por !p2, p0  }
0x20: {  	[sflag:s8] =	ssyncset.s32 @!p0 $0xFFFFF086;
	s6 =	sadd.s32 @!p0 s3, s7;
	s7 =	simm.s32 @!p0 $0x108  }
0x21: {  	s3 =	sadd.s32 s3, s9;
	s6 =	sadd.s32 @!p0 $0x88, s6;
	s7 =	simm.s32 @p2 $0x1082  }
0x22: {  	[simem:s7], [sflag:s8] =	dma.local @!p0 [hbm:s6], $0xF7A  }
0x23: {  	s9 =	sor.u32 $0xD0000000, s2;
	s6 =	simm.s32 $0x108;
	_ =	swait.ge @!p0 [sflag:s8], $0x0  }
0x24: {  	s3 =	sadd.s32 $0x88, s3;
	s6 =	simm.s32 @!p1 $0x1082;
	[sflag:s4] =	ssyncset.s32 $0xFFFFF086  }
0x25: {  	[simem:s6], [sflag:s4] =	dma.local [hbm:s3], $0xF7A  }
0x26: {  	[smem:$0x3F9B] =	sst s1;
	(tag) =	ssettag s2;
	_ =	strace s9  }
0x27: {  	s1 =	sld [smem:$0x3FAB]  }
0x28: {  	s2 =	sld [smem:$0x3FAC]  }
0x29: {  	s4 =	sld [smem:$0x3FAE]  }
0x2a: {  	p0 =	seq.s32 s5, $0x0;
	s5 =	sld [smem:$0x3FAF]  }
0x2b: {  	s6 =	sld [smem:$0x3FB0]  }
0x2c: {  	s7 =	sld [smem:$0x3FB1]  }
0x2d: {  	s3 =	simm.s32 $0x108;
	s8 =	sld [smem:$0x3FB2]  }
0x2e: {  	s3 =	simm.s32 @!p0 $0x1082;
	s9 =	sld [smem:$0x3FB3]  }
0x2f: {  	lr =	sadd.s32 s0, s3;
	s0 =	sld [smem:$0x3FAA]  }
0x30: {  	s3 =	sld [smem:$0x3FAD]  }
0x31: {  	[smem:$0x3FB6] =	sst s10  }
0x32: {  	s10 =	sld [smem:$0x3FB4];
	_ =	sdelay $0x3  }
0x33: {  	p0 =	seq.s32 s10, $0x1;
	s10 =	sld [smem:$0x3FB6];
	_ =	sdelay $0x3  }
0x34: {  	[smem:$0x3FB6] =	sst s10  }
0x35: {  	s10 =	sld [smem:$0x3FB5];
	_ =	sdelay $0x3  }
0x36: {  	p1 =	seq.s32 s10, $0x1;
	s10 =	sld [smem:$0x3FB6];
	_ =	sdelay $0x3  }
0x37: {  	[smem:$0x3FB6] =	sst s10  }
0x38: {  	s10 =	sld [smem:$0x3FB7]  }
0x39: {  	_ = 	snop;
	(pc) =	sbr.ind lr, $3  }
0x3a: {  	_ = 	snop  }
0x3b: {  	_ = 	snop  }
0x3c: {  	p2 =	seq.s32 s10, $0x1;
	s10 =	sld [smem:$0x3FB6]  }
0x3d: {  	_ =	shalt  }
0x3e: {  	_ =	shalt  }
0x3f: {  	_ =	shalt  }
0x40: {  	_ =	shalt  }
0x41: {  	_ =	shalt  }
0x42: {  	_ =	shalt  }
0x43: {  	_ =	shalt  }
0x44: {  	_ =	shalt  }
0x45: {  	_ =	shalt  }
0x46: {  	_ =	shalt  }
0x47: {  	_ =	shalt  }
0x48: {  	_ =	shalt  }
0x49: {  	_ =	shalt  }
0x4a: {  	_ =	shalt  }
0x4b: {  	_ =	shalt  }
0x4c: {  	_ =	shalt  }
0x4d: {  	_ =	shalt  }
0x4e: {  	_ =	shalt  }
0x4f: {  	_ =	shalt  }
0x50: {  	_ =	shalt  }
0x51: {  	_ =	shalt  }
0x52: {  	_ =	shalt  }
0x53: {  	_ =	shalt  }
0x54: {  	_ =	shalt  }
0x55: {  	_ =	shalt  }
0x56: {  	_ =	shalt  }
0x57: {  	_ =	shalt  }
0x58: {  	_ =	shalt  }
0x59: {  	_ =	shalt  }
0x5a: {  	_ =	shalt  }
0x5b: {  	_ =	shalt  }
0x5c: {  	_ =	shalt  }
0x5d: {  	_ =	shalt  }
0x5e: {  	_ =	shalt  }
0x5f: {  	_ =	shalt  }
0x60: {  	_ =	shalt  }
0x61: {  	_ =	shalt  }
0x62: {  	_ =	shalt  }
0x63: {  	_ =	shalt  }
0x64: {  	_ =	shalt  }
0x65: {  	_ =	shalt  }
0x66: {  	_ =	shalt  }
0x67: {  	_ =	shalt  }
0x68: {  	_ =	shalt  }
0x69: {  	_ =	shalt  }
0x6a: {  	_ =	shalt  }
0x6b: {  	_ =	shalt  }
0x6c: {  	_ =	shalt  }
0x6d: {  	_ =	shalt  }
0x6e: {  	_ =	shalt  }
0x6f: {  	_ =	shalt  }
0x70: {  	_ =	shalt  }
0x71: {  	_ =	shalt  }
0x72: {  	_ =	shalt  }
0x73: {  	_ =	shalt  }
0x74: {  	_ =	shalt  }
0x75: {  	_ =	shalt  }
0x76: {  	_ =	shalt  }
0x77: {  	_ =	shalt  }
0x78: {  	_ =	shalt  }
0x79: {  	_ =	shalt  }
0x7a: {  	_ =	shalt  }
0x7b: {  	_ =	shalt  }
0x7c: {  	_ =	shalt  }
0x7d: {  	_ =	shalt  }
0x7e: {  	_ =	shalt  }
0x7f: {  	_ =	shalt  }
0x80: {  	_ =	shalt  }
0x81: {  	_ =	shalt  }
0x82: {  	_ =	shalt  }
0x83: {  	_ =	shalt  }
0x84: {  	_ =	shalt  }
0x85: {  	_ =	shalt  }
0x86: {  	_ =	shalt  }
0x87: {  	_ =	shalt  }
.Lfunc_end0:
.L_simem_size_0:
called_computation_lowered:
.L_overlay_start_0:
0x88: {  	s2 =	sld [smem:$0x3FD9]  }
0x89: {  	s3 =	sld [smem:$0x3FFE];
	_ =	sdelay $0x1  }
0x8a: {  	s1 =	srdreg.scid  }
0x8b: {  	s0 =	sand.u32 $0x1, s1  }
0x8c: {  	s17 =	sshll.u32 s0, $0xA;
	s2 =	sadd.s32 s3, s2  }
0x8d: {  	s2 =	sadd.s32 s2, s17  }
0x8e: {  	[smem:$0x3FC2] =	sst s2  }
0x8f: {  	_ = 	snop  }
0x90: {  	s2 =	sld [smem:$0x3FC4]  }
0x91: {  	s18 =	sld [smem:$0x3FD0];
	(tm) =	ssettm $0x1  }
0x92: {  	s4 =	sld [smem:$0x3FFB];
	_ =	sdelay $0x3  }
0x93: {  	_ =	strace s4  }
0x94: {  	s4 =	sld [smem:$0x3FFC];
	_ =	sdelay $0x3  }
0x95: {  	_ =	strace s4  }
0x96: {  	s4 =	sld [smem:$0x3FFD];
	_ =	sdelay $0x3  }
0x97: {  	_ =	strace s4  }
0x98: {  	_ =	strace $0x8FFFFFFF  }
0x99: {  	s19 =	sld [smem:$0x3FDB];
	_ =	sdelay $0x1  }
0x9a: {  	s5 =	simm.s32 $_scs_section_size  }
0x9b: {  	s6 =	simm.s32 $_size__tile_overlayer_lowered;
	s7 =	simm.s32 $_tile_overlayer_lowered  }
0x9c: {  	s22 =	simm.s32 $0x1BFF;
	s21 =	sshll.u32 s7, $0x1;
	s4 =	sadd.s32 s5, s19  }
0x9d: {  	s8 =	simm.s32 $0x0;
	s20 =	sshll.u32 s6, $0x1;
	s6 =	sadd.s32 s21, s4  }
0x9e: {  	[timem:s8], [sflag:s22] =	dma.local [hbm:s6], s20  }
0x9f: {  	_ =	swait.ge [sflag:s22], s20  }
0xa0: {  	s5 =	ssub.s32 $0x0, s20;
	[sflag:s22] =	ssyncset.done $0x0  }
0xa1: {  	[sflag:s22] =	ssyncadd.s32 s5;
	_ =	sdelay $0x1  }
0xa2: {  	s23 =	simm.s32 $0x1B8B  }
0xa3: {  	_ =	swait.ge [sflag:s23], $0x1  }
0xa4: {  	[sflag:s23] =	ssyncset.done $0x0  }
0xa5: {  	s25 =	simm.s32 $0x1B8E;
	s24 =	sld [smem:$0x3FFE];
	[sflag:s23] =	ssyncadd.s32 $0xFFFFFFFF  }
0xa6: {  	s26 =	simm.s32 $execute0_lowered;
	[smem:$0x3FD2] =	sst s25  }
0xa7: {  	s6 =	sshll.u32 s26, $0x1;
	_ =	strace $0x80000046;
	[dreg:$0x1] =	wrdreg $0xFFFFFFFF  }
0xa8: {  	s28 =	simm.s32 $_size_execute0_lowered;
	s4 =	sadd.s32 s4, s6;
	[dreg:$0x0] =	wrdreg $0x0  }
0xa9: {  	s6 =	sshll.u32 s28, $0x1;
	[dreg:$0x2] =	wrdreg s4  }
0xaa: {  	[dreg:$0x3] =	wrdreg s6  }
0xab: {  	[dreg:$0x4] =	wrdreg $0xC0  }
0xac: {  	_ =	task [dreg:s8], $0x5FFFF  }
0xad: {  	[dreg:$0x1] =	wrdreg $0xFFFFFFFF  }
0xae: {  	[dreg:$0x0] =	wrdreg $0x60  }
0xaf: {  	[dreg:$0x2] =	wrdreg s2  }
0xb0: {  	[dreg:$0x3] =	wrdreg s24  }
0xb1: {  	[dreg:$0x4] =	wrdreg s18  }
0xb2: {  	[dreg:$0x5] =	wrdreg $0x0  }
0xb3: {  	[dreg:$0x6] =	wrdreg $0x9  }
0xb4: {  	_ =	task.clear_ibuf [dreg:s8], $0x7FFFF;
	_ =	strace $0x90000046  }
0xb5: {  	s29 =	simm.s32 $0x9;
	_ =	strace $0x80000048  }
0xb6: {  	_ =	swait.ge [sflag:s29], $0x1  }
0xb7: {  	[sflag:s29] =	ssyncadd.s32 $0xFFFFFFFF  }
0xb8: {  	_ =	strace $0x90000048  }
0xb9: {  	_ =	sfence  }
0xba: {  	s30 =	sld [smem:$0x0];
	_ =	sdelay $0x2  }
0xbb: {  	s31 =	sshll.u32 s1, $0xD;
	s1 =	sshrl.u32 s1, $0x2  }
0xbc: {  	s3 =	sand.u32 $0x4000, s31;
	s1 =	sadd.s32 s1, s30  }
0xbd: {  	s0 =	sor.u32 s3, s0;
	s1 =	sshll.u32 s1, $0x11  }
0xbe: {  	s0 =	sor.u32 s1, s0  }
0xbf: {  	s0 =	sadd.s32 $0x8F2B, s0  }
0xc0: {  	[sflag:s0] =	ssyncadd.remote.s32 $0x1  }
0xc1: {  	_ =	sfence.sel $0xFFFF  }
0xc2: {  	[dreg:$0x0] =	wrdreg $0xFFFFFFFF;
	(pc) =	sbr.abs _section_cstart, $3  }
0xc3: {  	[dreg:$0x1] =	wrdreg $0xFFFFFFFF  }
0xc4: {  	_ =	task.clear_ibuf [dreg:s8], $0x2FFFF;
	_ =	strace $0x9FFFFFFF  }
0xc5: {  	(tm) =	ssettm $0x7FFFFFFF  }
tec
execute0_lowered:
.L_overlay_start_1:
0x0: {  	(tag) =	ssettag $0x1  }
0x1: {  	s0 =	rddreg [dreg:$0x1];
	s1 =	srdreg.scid  }
0x2: {  	s4 =	stileid.u32;
	s5 =	rddreg [dreg:$0x2]  }
0x3: {  	s2 =	rddreg [dreg:$0x3];
	s16 =	simm.s32 $0x9;
	s17 =	simm.s32 $0x80  }
0x4: {  	s18 =	simm.s32 $0x520;
	s19 =	simm.s32 $0x3A0;
	s28 =	simm.s32 $0x3  }
0x5: {  	s29 =	simm.s32 $0x4;
	s30 =	simm.s32 $0x5;
	s13 =	smul.u32 $0xC8000, s4  }
0x6: {  	s31 =	simm.s32 $0x6;
	s1 =	sand.u32 $0x1, s1;
	s14 =	smul.u32 $0xC800, s4  }
0x7: {  	s3 =	sshll.u32 s4, $0x1;
	p0 =	sne.s32 s4, $0x0;
	s15 =	smul.u32 $0x6400, s1  }
0x8: {  	s6 =	sor.u32 s1, s3;
	s8 =	ssub.s32 $0x2, s1;
	s1 =	smul.u32 $0x64000, s1  }
0x9: {  	s4 =	simm.s32 $0x0;
	s3 =	simm.s32 $0x0;
	s7 =	smul.u32 $0x6400, s6  }
0xa: {  	[smem:$0x7FF] =	sst s3;
	s10 =	sshrl.u32 s8, $0x1;
	s6 =	smul.u32 $0x320000, s6  }
0xb: {  	_ =	strace $0x80000047;
	s12 =	ssub.s32 s8, s10;
	s24 =	sadd.s32 s15, s14  }
0xc: {  	s14 =	sshrl.u32 @!p0 s2, $0x3;
	s15 =	simm.s32 $0x320;
	s7 =	sshrl.u32 s7, $0x3  }
0xd: {  	s6 =	sshrl.u32 s6, $0x3;
	s12 =	smax.u32 s12, $0x1;
	s25 =	sor.u32 $0x200, s24  }
0xe: {  	s24 =	simm.s32 $0xC520;
	s9 =	sadd.s32 s7, s0;
	s0 =	sadd.s32 $0x630, s0  }
0xf: {  	s6 =	sadd.s32 s5, s6;
	s5 =	sadd.s32 s13, s5;
	s26 =	sshrl.u32 s25, $0x3  }
0x10: {  	s25 =	simm.s32 $0x1;
	s20 =	sadd.s32 $0x600, s9;
	s21 =	sadd.s32 $0x610, s9  }
0x11: {  	s22 =	sadd.s32 $0x620, s9;
	s7 =	sadd.s32 s7, s0;
	[dreg:$0x6] =	wrdreg s20  }
0x12: {  	s23 =	sadd.s32 $0x62000, s6;
	s9 =	sadd.s32 $0x62800, s6;
	[dreg:$0x7] =	wrdreg s21  }
0x13: {  	s10 =	sadd.s32 $0x63000, s6;
	s11 =	sadd.s32 $0x63800, s6;
	[dreg:$0x8] =	wrdreg s22  }
0x14: {  	s1 =	sadd.s32 s1, s5;
	s13 =	sadd.s32 s26, s0;
	[dreg:$0x9] =	wrdreg s7  }
0x15: {  	s26 =	simm.s32 $0x2;
	s0 =	simm.s32 $0x8;
	[dreg:$0xa] =	wrdreg s23  }
0x16: {  	[dreg:$0x5] =	wrdreg s1;
	s20 =	simm.s32 $0x4520;
	s21 =	simm.s32 $0x420  }
0x17: {  	s22 =	simm.s32 $0x8520;
	s23 =	simm.s32 $0x4A0;
	s1 =	simm.s32 $0x7  }
.LBB2_1:
0x18: {  	s5 =	simm.s32 @!p0 $0x1C09;
	s6 =	rddreg [dreg:$0x0]  }
0x19: {  	[spmem:s14], [sflag:s5] =	dma.local @!p0 [hbm:s6], $0x640  }
0x1a: {  	s5 =	simm.s32 @!p0 $0x9  }
0x1b: {  	_ =	swait.ge @!p0 [sflag:s5], $0x640  }
0x1c: {  	[sflag:s5] =	ssyncset.done @!p0 $0x0  }
0x1d: {  	[sflag:s5] =	ssyncadd.s32 @!p0 $0xFFFFF9C0  }
0x1e: {  	[bflag:$0x0] =	sbarrier.arrive $0xFFFF  }
0x1f: {  	s8 =	rddreg [dreg:$0x6]  }
0x20: {  	[tilespmem:s15], [sflag:$0x9] =	stream.linear.gather [hbm4b:s8+s3], $0x80, $0x38;
	[tilespmem:$0x10520] =	vst v63  }
0x21: {  	_ =	swait.ge [sflag:s16], $0x80  }
0x22: {  	[sflag:s16] =	ssyncset.done $0x0  }
0x23: {  	[sflag:s16] =	ssyncadd.s32 $0xFFFFFF80  }
0x24: {  	[tilespmem:s18], [sflag:$0x1] =	stream.indirect.gather [spmem:s2], $0x80, s15, s17, $0xb8;
	[tilespmem:$0x10520] =	vst v63  }
0x25: {  	s6 =	rddreg [dreg:$0x7]  }
0x26: {  	[tilespmem:s19], [sflag:$0x9] =	stream.linear.gather [hbm4b:s6+s3], $0x80, $0x38;
	[tilespmem:$0x10520] =	vst v63  }
0x27: {  	_ =	swait.ge [sflag:s16], $0x80  }
0x28: {  	[sflag:s16] =	ssyncset.done $0x0  }
0x29: {  	[sflag:s16] =	ssyncadd.s32 $0xFFFFFF80  }
0x2a: {  	[tilespmem:s20], [sflag:$0x2] =	stream.indirect.gather [spmem:s2], $0x80, s19, s17, $0xb8;
	[tilespmem:$0x10520] =	vst v63  }
0x2b: {  	s7 =	rddreg [dreg:$0x8]  }
0x2c: {  	[tilespmem:s21], [sflag:$0x9] =	stream.linear.gather [hbm4b:s7+s3], $0x80, $0x38;
	[tilespmem:$0x10520] =	vst v63  }
0x2d: {  	_ =	swait.ge [sflag:s16], $0x80  }
0x2e: {  	[sflag:s16] =	ssyncset.done $0x0  }
0x2f: {  	[sflag:s16] =	ssyncadd.s32 $0xFFFFFF80  }
0x30: {  	[tilespmem:s22], [sflag:$0x3] =	stream.indirect.gather [spmem:s2], $0x80, s21, s17, $0xb8;
	[tilespmem:$0x10520] =	vst v63  }
0x31: {  	s8 =	rddreg [dreg:$0x9]  }
0x32: {  	[tilespmem:s23], [sflag:$0x9] =	stream.linear.gather [hbm4b:s8+s3], $0x80, $0x38;
	[tilespmem:$0x10520] =	vst v63  }
0x33: {  	_ =	swait.ge [sflag:s16], $0x80  }
0x34: {  	[sflag:s16] =	ssyncset.done $0x0  }
0x35: {  	[sflag:s16] =	ssyncadd.s32 $0xFFFFFF80  }
0x36: {  	[tilespmem:s24], [sflag:$0x4] =	stream.indirect.gather [spmem:s2], $0x80, s23, s17, $0xb8;
	[tilespmem:$0x10520] =	vst v63  }
0x37: {  	_ =	swait.ge [sflag:s25], $0x4000  }
0x38: {  	s6 =	rddreg [dreg:$0x5];
	[sflag:s25] =	ssyncset.done $0x0  }
0x39: {  	[sflag:s25] =	ssyncadd.s32 $0xFFFFC000;
	s5 =	sadd.s32 $0x0, s6  }
0x3a: {  	[hbm4b:s5+s3] =	stream.linear.scatter [tilespmem:s18], [sflag:$0x5], $0x4000, $0x38;
	[tilespmem:$0x10520] =	vst v63  }
0x3b: {  	_ =	swait.ge [sflag:s26], $0x4000  }
0x3c: {  	[sflag:s26] =	ssyncset.done $0x0  }
0x3d: {  	s7 =	sadd.s32 $0x800, s5;
	[sflag:s26] =	ssyncadd.s32 $0xFFFFC000  }
0x3e: {  	[hbm4b:s7+s3] =	stream.linear.scatter [tilespmem:s20], [sflag:$0x6], $0x4000, $0x38;
	[tilespmem:$0x10520] =	vst v63  }
0x3f: {  	_ =	swait.ge [sflag:s28], $0x4000  }
0x40: {  	[sflag:s28] =	ssyncset.done $0x0  }
0x41: {  	s8 =	sadd.s32 $0x1000, s5;
	[sflag:s28] =	ssyncadd.s32 $0xFFFFC000  }
0x42: {  	[hbm4b:s8+s3] =	stream.linear.scatter [tilespmem:s22], [sflag:$0x7], $0x4000, $0x38;
	[tilespmem:$0x10520] =	vst v63  }
0x43: {  	_ =	swait.ge [sflag:s29], $0x4000  }
0x44: {  	[sflag:s29] =	ssyncset.done $0x0  }
0x45: {  	s5 =	sadd.s32 $0x1800, s5;
	[sflag:s29] =	ssyncadd.s32 $0xFFFFC000  }
0x46: {  	[hbm4b:s5+s3] =	stream.linear.scatter [tilespmem:s24], [sflag:$0x8], $0x4000, $0x38;
	[tilespmem:$0x10520] =	vst v63  }
0x47: {  	_ =	swait.ge [sflag:s30], $0x4000  }
0x48: {  	[sflag:s30] =	ssyncset.done $0x0  }
0x49: {  	s6 =	sadd.s32 $0xFFFFFFD0, s13;
	[sflag:s30] =	ssyncadd.s32 $0xFFFFC000  }
0x4a: {  	[tilespmem:s15], [sflag:$0x9] =	stream.linear.gather [hbm4b:s6+s3], $0x80, $0x38;
	[tilespmem:$0x10520] =	vst v63  }
0x4b: {  	_ =	swait.ge [sflag:s16], $0x80  }
0x4c: {  	[sflag:s16] =	ssyncset.done $0x0  }
0x4d: {  	[sflag:s16] =	ssyncadd.s32 $0xFFFFFF80  }
0x4e: {  	[tilespmem:s18], [sflag:$0x1] =	stream.indirect.gather [spmem:s2], $0x80, s15, s17, $0xb8;
	[tilespmem:$0x10520] =	vst v63  }
0x4f: {  	_ =	swait.ge [sflag:s31], $0x4000  }
0x50: {  	[sflag:s31] =	ssyncset.done $0x0  }
0x51: {  	s7 =	sadd.s32 $0xFFFFFFE0, s13;
	[sflag:s31] =	ssyncadd.s32 $0xFFFFC000  }
0x52: {  	[tilespmem:s19], [sflag:$0x9] =	stream.linear.gather [hbm4b:s7+s3], $0x80, $0x38;
	[tilespmem:$0x10520] =	vst v63  }
0x53: {  	_ =	swait.ge [sflag:s16], $0x80  }
0x54: {  	[sflag:s16] =	ssyncset.done $0x0  }
0x55: {  	[sflag:s16] =	ssyncadd.s32 $0xFFFFFF80  }
0x56: {  	[tilespmem:s20], [sflag:$0x2] =	stream.indirect.gather [spmem:s2], $0x80, s19, s17, $0xb8;
	[tilespmem:$0x10520] =	vst v63  }
0x57: {  	_ =	swait.ge [sflag:s1], $0x4000  }
0x58: {  	[sflag:s1] =	ssyncset.done $0x0  }
0x59: {  	s8 =	sadd.s32 $0xFFFFFFF0, s13;
	[sflag:s1] =	ssyncadd.s32 $0xFFFFC000  }
0x5a: {  	[tilespmem:s21], [sflag:$0x9] =	stream.linear.gather [hbm4b:s8+s3], $0x80, $0x38;
	[tilespmem:$0x10520] =	vst v63  }
0x5b: {  	_ =	swait.ge [sflag:s16], $0x80  }
0x5c: {  	[sflag:s16] =	ssyncset.done $0x0  }
0x5d: {  	[sflag:s16] =	ssyncadd.s32 $0xFFFFFF80  }
0x5e: {  	[tilespmem:s22], [sflag:$0x3] =	stream.indirect.gather [spmem:s2], $0x80, s21, s17, $0xb8;
	[tilespmem:$0x10520] =	vst v63  }
0x5f: {  	_ =	swait.ge [sflag:s0], $0x4000  }
0x60: {  	[sflag:s0] =	ssyncset.done $0x0  }
0x61: {  	[sflag:s0] =	ssyncadd.s32 $0xFFFFC000  }
0x62: {  	[tilespmem:s23], [sflag:$0x9] =	stream.linear.gather [hbm4b:s13+s3], $0x80, $0x38;
	[tilespmem:$0x10520] =	vst v63  }
0x63: {  	_ =	swait.ge [sflag:s16], $0x80  }
0x64: {  	[sflag:s16] =	ssyncset.done $0x0  }
0x65: {  	s5 =	simm.s32 $0x2000;
	s6 =	sadd.s32 $0x40, s13;
	[sflag:s16] =	ssyncadd.s32 $0xFFFFFF80  }
.LBB2_2:
0x66: {  	[tilespmem:s24], [sflag:$0x4] =	stream.indirect.gather [spmem:s2], $0x80, s23, s17, $0xb8;
	[tilespmem:$0x10520] =	vst v63  }
0x67: {  	_ =	swait.ge [sflag:s25], $0x4000  }
0x68: {  	s7 =	smov.u32 s5;
	s8 =	rddreg [dreg:$0x5];
	[sflag:s25] =	ssyncset.done $0x0  }
0x69: {  	[sflag:s25] =	ssyncadd.s32 $0xFFFFC000;
	s7 =	sadd.s32 s7, s8  }
0x6a: {  	[hbm4b:s7+s3] =	stream.linear.scatter [tilespmem:s18], [sflag:$0x5], $0x4000, $0x38;
	[tilespmem:$0x10520] =	vst v63  }
0x6b: {  	_ =	swait.ge [sflag:s26], $0x4000  }
0x6c: {  	[sflag:s26] =	ssyncset.done $0x0  }
0x6d: {  	s8 =	sadd.s32 $0x800, s7;
	[sflag:s26] =	ssyncadd.s32 $0xFFFFC000  }
0x6e: {  	[hbm4b:s8+s3] =	stream.linear.scatter [tilespmem:s20], [sflag:$0x6], $0x4000, $0x38;
	[tilespmem:$0x10520] =	vst v63  }
0x6f: {  	_ =	swait.ge [sflag:s28], $0x4000  }
0x70: {  	[sflag:s28] =	ssyncset.done $0x0  }
0x71: {  	s8 =	sadd.s32 $0x1000, s7;
	[sflag:s28] =	ssyncadd.s32 $0xFFFFC000  }
0x72: {  	[hbm4b:s8+s3] =	stream.linear.scatter [tilespmem:s22], [sflag:$0x7], $0x4000, $0x38;
	[tilespmem:$0x10520] =	vst v63  }
0x73: {  	_ =	swait.ge [sflag:s29], $0x4000  }
0x74: {  	[sflag:s29] =	ssyncset.done $0x0  }
0x75: {  	s7 =	sadd.s32 $0x1800, s7;
	[sflag:s29] =	ssyncadd.s32 $0xFFFFC000  }
0x76: {  	[hbm4b:s7+s3] =	stream.linear.scatter [tilespmem:s24], [sflag:$0x8], $0x4000, $0x38;
	[tilespmem:$0x10520] =	vst v63  }
0x77: {  	_ =	swait.ge [sflag:s30], $0x4000  }
0x78: {  	[sflag:s30] =	ssyncset.done $0x0  }
0x79: {  	s8 =	sadd.s32 $0xFFFFFFD0, s6;
	[sflag:s30] =	ssyncadd.s32 $0xFFFFC000  }
0x7a: {  	[tilespmem:s15], [sflag:$0x9] =	stream.linear.gather [hbm4b:s8+s3], $0x80, $0x38;
	[tilespmem:$0x10520] =	vst v63  }
0x7b: {  	_ =	swait.ge [sflag:s16], $0x80  }
0x7c: {  	[sflag:s16] =	ssyncset.done $0x0  }
0x7d: {  	[sflag:s16] =	ssyncadd.s32 $0xFFFFFF80  }
0x7e: {  	[tilespmem:s18], [sflag:$0x1] =	stream.indirect.gather [spmem:s2], $0x80, s15, s17, $0xb8;
	[tilespmem:$0x10520] =	vst v63  }
0x7f: {  	_ =	swait.ge [sflag:s31], $0x4000  }
0x80: {  	[sflag:s31] =	ssyncset.done $0x0  }
0x81: {  	s8 =	sadd.s32 $0xFFFFFFE0, s6;
	[sflag:s31] =	ssyncadd.s32 $0xFFFFC000  }
0x82: {  	[tilespmem:s19], [sflag:$0x9] =	stream.linear.gather [hbm4b:s8+s3], $0x80, $0x38;
	[tilespmem:$0x10520] =	vst v63  }
0x83: {  	_ =	swait.ge [sflag:s16], $0x80  }
0x84: {  	[sflag:s16] =	ssyncset.done $0x0  }
0x85: {  	[sflag:s16] =	ssyncadd.s32 $0xFFFFFF80  }
0x86: {  	[tilespmem:s20], [sflag:$0x2] =	stream.indirect.gather [spmem:s2], $0x80, s19, s17, $0xb8;
	[tilespmem:$0x10520] =	vst v63  }
0x87: {  	_ =	swait.ge [sflag:s1], $0x4000  }
0x88: {  	[sflag:s1] =	ssyncset.done $0x0  }
0x89: {  	s8 =	sadd.s32 $0xFFFFFFF0, s6;
	[sflag:s1] =	ssyncadd.s32 $0xFFFFC000  }
0x8a: {  	[tilespmem:s21], [sflag:$0x9] =	stream.linear.gather [hbm4b:s8+s3], $0x80, $0x38;
	[tilespmem:$0x10520] =	vst v63  }
0x8b: {  	_ =	swait.ge [sflag:s16], $0x80  }
0x8c: {  	[sflag:s16] =	ssyncset.done $0x0  }
0x8d: {  	[sflag:s16] =	ssyncadd.s32 $0xFFFFFF80  }
0x8e: {  	[tilespmem:s22], [sflag:$0x3] =	stream.indirect.gather [spmem:s2], $0x80, s21, s17, $0xb8;
	[tilespmem:$0x10520] =	vst v63  }
0x8f: {  	_ =	swait.ge [sflag:s0], $0x4000  }
0x90: {  	p1 =	sne.s32 s5, $0x60000;
	[sflag:s0] =	ssyncset.done $0x0  }
.Ltmp0:
0x91: {  	[sflag:s0] =	ssyncadd.s32 $0xFFFFC000;
	(pc) =	sbr.rel @p1 .LBB2_2-.Ltmp0, $4  }
0x92: {  	[tilespmem:s23], [sflag:$0x9] =	stream.linear.gather [hbm4b:s6+s3], $0x80, $0x38;
	[tilespmem:$0x10520] =	vst v63  }
0x93: {  	_ =	swait.ge [sflag:s16], $0x80  }
0x94: {  	[sflag:s16] =	ssyncset.done $0x0  }
0x95: {  	s5 =	sadd.s32 $0x2000, s5;
	s6 =	sadd.s32 $0x40, s6;
	[sflag:s16] =	ssyncadd.s32 $0xFFFFFF80  }
0x96: {  	[tilespmem:s24], [sflag:$0x4] =	stream.indirect.gather [spmem:s2], $0x80, s23, s17, $0xb8;
	[tilespmem:$0x10520] =	vst v63  }
0x97: {  	_ =	swait.ge [sflag:s25], $0x4000  }
0x98: {  	[sflag:s25] =	ssyncset.done $0x0  }
0x99: {  	s5 =	rddreg [dreg:$0xa];
	[sflag:s25] =	ssyncadd.s32 $0xFFFFC000  }
0x9a: {  	[hbm4b:s5+s3] =	stream.linear.scatter [tilespmem:s18], [sflag:$0x5], $0x4000, $0x38;
	[tilespmem:$0x10520] =	vst v63  }
0x9b: {  	_ =	swait.ge [sflag:s26], $0x4000  }
0x9c: {  	[sflag:s26] =	ssyncset.done $0x0  }
0x9d: {  	[sflag:s26] =	ssyncadd.s32 $0xFFFFC000  }
0x9e: {  	[hbm4b:s9+s3] =	stream.linear.scatter [tilespmem:s20], [sflag:$0x6], $0x4000, $0x38;
	[tilespmem:$0x10520] =	vst v63  }
0x9f: {  	_ =	swait.ge [sflag:s28], $0x4000  }
0xa0: {  	[sflag:s28] =	ssyncset.done $0x0  }
0xa1: {  	[sflag:s28] =	ssyncadd.s32 $0xFFFFC000  }
0xa2: {  	[hbm4b:s10+s3] =	stream.linear.scatter [tilespmem:s22], [sflag:$0x7], $0x4000, $0x38;
	[tilespmem:$0x10520] =	vst v63  }
0xa3: {  	_ =	swait.ge [sflag:s29], $0x4000  }
0xa4: {  	[sflag:s29] =	ssyncset.done $0x0  }
0xa5: {  	[sflag:s29] =	ssyncadd.s32 $0xFFFFC000  }
0xa6: {  	[hbm4b:s11+s3] =	stream.linear.scatter [tilespmem:s24], [sflag:$0x8], $0x4000, $0x38;
	[tilespmem:$0x10520] =	vst v63  }
0xa7: {  	_ =	swait.ge [sflag:s30], $0x4000  }
0xa8: {  	[sflag:s30] =	ssyncset.done $0x0  }
0xa9: {  	[sflag:s30] =	ssyncadd.s32 $0xFFFFC000  }
0xaa: {  	_ =	swait.ge [sflag:s31], $0x4000  }
0xab: {  	[sflag:s31] =	ssyncset.done $0x0  }
0xac: {  	s4 =	sadd.s32 $0x1, s4;
	[sflag:s31] =	ssyncadd.s32 $0xFFFFC000  }
0xad: {  	p1 =	sne.s32 s4, s12;
	_ =	swait.ge [sflag:s1], $0x4000  }
.Ltmp1:
0xae: {  	[sflag:s1] =	ssyncset.done $0x0;
	(pc) =	sbr.rel @p1 .LBB2_1-.Ltmp1, $4  }
0xaf: {  	[sflag:s1] =	ssyncadd.s32 $0xFFFFC000  }
0xb0: {  	_ =	swait.ge [sflag:s0], $0x4000  }
0xb1: {  	[sflag:s0] =	ssyncset.done $0x0  }
0xb2: {  	[sflag:s0] =	ssyncadd.s32 $0xFFFFC000  }
0xb3: {  	_ =	sfence.sel $0x180000  }
0xb4: {  	[bflag:$0x0] =	sbarrier.arrive $0xFFFF  }
0xb5: {  	_ =	strace $0x90000047  }
0xb6: {  	[bflag:$0x2] =	sbarrier.arrive $0xFFFF  }
0xb7: {  	s0 =	rddreg [dreg:$0x4]  }
0xb8: {  	s0 =	sadd.s32 @!p0 $0x100000, s0  }
0xb9: {  	[sflag:s0] =	ssyncadd.tile.s32 @!p0 $0x1;
	_ =	shalt  }
.Lfunc_end2:
_tile_overlayer_lowered:
.L_overlay_start_2:
0xba: {  	(tag) =	ssettag $0x2  }
0xbb: {  	s0 =	rddreg [dreg:$0x0];
	s2 =	stileid.u32  }
0xbc: {  	s1 =	rddreg [dreg:$0x1];
	p0 =	sne.s32 s2, $0x0  }
0xbd: {  	s3 =	rddreg [dreg:$0x2];
	[bflag:$0x3] =	sbarrier.arrive $0xFFFF;
	s2 =	simm.s32 @!p0 $0x1C09  }
0xbe: {  	[timem:s3], [sflag:s2] =	dma.local @!p0 [hbm:s0], s1  }
0xbf: {  	s0 =	simm.s32 @!p0 $0x9  }
0xc0: {  	_ =	swait.ge @!p0 [sflag:s0], s1  }
0xc1: {  	s1 =	ssub.s32 @!p0 $0x0, s1;
	[sflag:s0] =	ssyncset.done @!p0 $0x0  }
0xc2: {  	[sflag:s0] =	ssyncadd.s32 @!p0 s1  }
0xc3: {  	[bflag:$0x3] =	sbarrier.arrive $0xFFFF  }
0xc4: {  	_ =	shalt  }

</sc_bundles>
